<compile_context>
chip_gen: v7x
topology: tpu7x:2x2x1
jax: 0.10.2.dev20260603
libtpu: 0.0.44.dev20260713+nightly
codegen_flags: <defaults>
</compile_context>

<pallas_src>
import jax
import jax.numpy as jnp
from jax import lax
from jax.experimental import pallas as pl
from jax.experimental.pallas import tpu as pltpu
from jax.experimental.pallas import tpu_sc as plsc

_B = 64
_N = 512
_F = 64
_E = 16384
_NCONV = 6
_BB = 8
_ROWS_PER_TILE = _N // 32
_KC = 4096
_PREC_PROP = lax.Precision.HIGHEST
_PREC_W = lax.Precision.DEFAULT



def _sc_scatter_body(ei_hbm, w_hbm, out_hbm, rows_v, cols_v, w_v, blk_v):
    wid = lax.axis_index("s") * 2 + lax.axis_index("c")
    base = wid * _ROWS_PER_TILE
    pltpu.sync_copy(ei_hbm.at[0], rows_v)
    pltpu.sync_copy(ei_hbm.at[1], cols_v)
    pltpu.sync_copy(w_hbm, w_v)

    zero16 = jnp.zeros((16,), jnp.float32)

    @pl.loop(0, _ROWS_PER_TILE * _N // 16)
    def _zero(i):
        blk_v[pl.ds(i * 16, 16)] = zero16

    @pl.loop(0, _E // 16)
    def _scan(i):
        r = rows_v[pl.ds(i * 16, 16)]
        c = cols_v[pl.ds(i * 16, 16)]
        w = w_v[pl.ds(i * 16, 16)]
        w = jnp.where(r == c, 0.0, w)
        m = (r >= base) & (r < base + _ROWS_PER_TILE)
        li = (r - base) * _N + c
        li = jnp.where(m, li, 0)
        plsc.addupdate_scatter(blk_v, [li], w, mask=m)

    pltpu.sync_copy(blk_v, out_hbm.at[pl.ds(base * _N, _ROWS_PER_TILE * _N)])


def _build_adjacency(edge_index, edge_weight):
    fn = pl.kernel(
        _sc_scatter_body,
        out_type=jax.ShapeDtypeStruct((_N * _N,), jnp.float32),
        mesh=plsc.VectorSubcoreMesh(
            core_axis_name="c", subcore_axis_name="s",
            num_cores=2, num_subcores=16,
        ),
        scratch_types=[
            pltpu.VMEM((_E,), jnp.int32),
            pltpu.VMEM((_E,), jnp.int32),
            pltpu.VMEM((_E,), jnp.float32),
            pltpu.VMEM((_ROWS_PER_TILE * _N,), jnp.float32),
        ],
        compiler_params=pltpu.CompilerParams(needs_layout_passes=False),
    )
    return fn(edge_index, edge_weight).reshape(_N, _N)



def _conv_body(x_ref, at_ref, wa_ref, wb_ref, bias_ref, out_ref):
    at = at_ref[...]
    deg = jnp.sum(at, axis=1)
    pos = deg > 0.0
    dis = jnp.where(pos, lax.rsqrt(jnp.where(pos, deg, 1.0)), 0.0)
    lt = (-dis[:, None] * dis[None, :]) * at

    dn0 = (((0,), (0,)), ((), ()))
    dn_t = (((0,), (1,)), ((), ()))

    gs = []
    for b in range(_BB):
        xb = x_ref[b]
        pb = lax.dot_general(xb, lt, dn0, precision=_PREC_PROP)
        a = lax.dot_general(wa_ref[0], xb, dn_t, precision=_PREC_W)
        z = lax.dot_general(wb_ref[0], pb, dn0, precision=_PREC_W)
        gs.append((a + z) + bias_ref[0][:, None])
    g = jnp.maximum(jnp.concatenate(gs, axis=0), 0.0)

    for l in range(1, _NCONV - 1):
        wa = wa_ref[l]
        wb = wb_ref[l]
        bias = bias_ref[l][:, None]
        p = jnp.dot(g, lt, precision=_PREC_PROP)
        gs = []
        for b in range(_BB):
            gb = g[b * _F:(b + 1) * _F, :]
            pb = p[b * _F:(b + 1) * _F, :]
            a = lax.dot_general(wa, gb, dn0, precision=_PREC_W)
            z = lax.dot_general(wb, pb, dn0, precision=_PREC_W)
            gs.append((a + z) + bias)
        g = jnp.maximum(jnp.concatenate(gs, axis=0), 0.0)

    ll = _NCONV - 1
    p = jnp.dot(g, lt, precision=_PREC_PROP)
    for b in range(_BB):
        gb = g[b * _F:(b + 1) * _F, :]
        pb = p[b * _F:(b + 1) * _F, :]
        a = lax.dot_general(gb, wa_ref[ll], dn0, precision=_PREC_W)
        z = lax.dot_general(pb, wb_ref[ll], dn0, precision=_PREC_W)
        out_ref[b] = (a + z) + bias_ref[ll][None, :]


def _run_conv(x, at, wa_s, wb_s, bias_s):
    return pl.pallas_call(
        _conv_body,
        out_shape=jax.ShapeDtypeStruct((_B, _N, _F), jnp.float32),
        grid=(_B // _BB,),
        in_specs=[
            pl.BlockSpec((_BB, _N, _F), lambda i: (i, 0, 0)),
            pl.BlockSpec((_N, _N), lambda i: (0, 0)),
            pl.BlockSpec((_NCONV, _F, _F), lambda i: (0, 0, 0)),
            pl.BlockSpec((_NCONV, _F, _F), lambda i: (0, 0, 0)),
            pl.BlockSpec((_NCONV, _F), lambda i: (0, 0)),
        ],
        out_specs=pl.BlockSpec((_BB, _N, _F), lambda i: (i, 0, 0)),
    )(x, at, wa_s, wb_s, bias_s)



def _cls_body(g_ref, w1_ref, cb1_ref, w2_ref, cb2_ref, w3_ref, cb3_ref,
              out_ref, acc_ref):
    k = pl.program_id(0)

    @pl.when(k == 0)
    def _():
        acc_ref[...] = jnp.zeros_like(acc_ref)

    acc_ref[...] += jnp.dot(g_ref[...], w1_ref[...], precision=_PREC_W)

    @pl.when(k == pl.num_programs(0) - 1)
    def _():
        h1 = acc_ref[...] + cb1_ref[...]
        h2 = jnp.dot(h1, w2_ref[...], precision=_PREC_W) + cb2_ref[...]
        h3 = jnp.dot(h2, w3_ref[...], precision=_PREC_W) + cb3_ref[...]
        out_ref[...] = h3


def _run_classifier(gflat, w1p, cb1, cw2, cb2, cw3, cb3):
    d0 = _N * _F
    nk = d0 // _KC
    nc = cw3.shape[1]
    return pl.pallas_call(
        _cls_body,
        out_shape=jax.ShapeDtypeStruct((_B, nc), jnp.float32),
        grid=(nk,),
        in_specs=[
            pl.BlockSpec((_B, _KC), lambda k: (0, k)),
            pl.BlockSpec((_KC, 256), lambda k: (k, 0)),
            pl.BlockSpec((1, 256), lambda k: (0, 0)),
            pl.BlockSpec((256, 128), lambda k: (0, 0)),
            pl.BlockSpec((1, 128), lambda k: (0, 0)),
            pl.BlockSpec((128, nc), lambda k: (0, 0)),
            pl.BlockSpec((1, nc), lambda k: (0, 0)),
        ],
        out_specs=pl.BlockSpec((_B, nc), lambda k: (0, 0)),
        scratch_shapes=[pltpu.VMEM((_B, 256), jnp.float32)],
    )(gflat, w1p, cb1, cw2, cb2, cw3, cb3)


def kernel(x, edge_index, edge_weight,
           W0a, W0b, b0, W1a, W1b, b1, W2a, W2b, b2,
           W3a, W3b, b3, W4a, W4b, b4, W5a, W5b, b5,
           cW1, cb1, cW2, cb2, cW3, cb3):
    ei = edge_index.astype(jnp.int32)
    at = _build_adjacency(ei, edge_weight)

    wa_s = jnp.stack([W0a, W1a, W2a, W3a, W4a, W5a])
    wb_s = jnp.stack([W0b, W1b, W2b, W3b, W4b, W5b])
    bias_s = jnp.stack([b0, b1, b2, b3, b4, b5])
    g6 = _run_conv(x, at, wa_s, wb_s, bias_s)

    gflat = g6.reshape(_B, _N * _F)
    return _run_classifier(gflat, cW1,
                           cb1.reshape(1, -1), cW2, cb2.reshape(1, -1),
                           cW3, cb3.reshape(1, -1))

# --- scband reference (transcript-rebuilt; emitter-appended) ---
"""Pipeline reference for scband-yu-gcn-67456756351206 (READ-ONLY COPY).

The authoritative reference and input builder live on the scoring server;
editing this copy changes nothing except your own understanding.
"""

import jax, jax.numpy as jnp
import numpy as np

B = 64
N_ROI = 512
N_TP = 64
N_F = 64
E = 16384
N_CLASSES = 2
N_CONV = 6


def setup_inputs(seed: int = 0):
    key = jax.random.key(seed)
    ks = jax.random.split(key, 64)
    inp = {}
    inp["x"] = jax.random.normal(ks[0], (B, N_ROI, N_TP), dtype=jnp.float32)
    inp["edge_index"] = jax.random.randint(ks[1], (2, E), 0, N_ROI)
    inp["edge_weight"] = jax.random.uniform(ks[2], (E,), dtype=jnp.float32)
    cins = [N_TP] + [N_F] * (N_CONV - 1)
    j = 3
    for i, cin in enumerate(cins):
        s = 1.0 / np.sqrt(cin)
        inp[f"W{i}a"] = jax.random.normal(ks[j], (cin, N_F), dtype=jnp.float32) * s; j += 1
        inp[f"W{i}b"] = jax.random.normal(ks[j], (cin, N_F), dtype=jnp.float32) * s; j += 1
        inp[f"b{i}"] = jnp.zeros((N_F,), dtype=jnp.float32)
    d0 = N_ROI * N_F
    inp["cW1"] = jax.random.normal(ks[j], (d0, 256), dtype=jnp.float32) / np.sqrt(d0); j += 1
    inp["cb1"] = jnp.zeros((256,), dtype=jnp.float32)
    inp["cW2"] = jax.random.normal(ks[j], (256, 128), dtype=jnp.float32) / np.sqrt(256.0); j += 1
    inp["cb2"] = jnp.zeros((128,), dtype=jnp.float32)
    inp["cW3"] = jax.random.normal(ks[j], (128, N_CLASSES), dtype=jnp.float32) / np.sqrt(128.0); j += 1
    inp["cb3"] = jnp.zeros((N_CLASSES,), dtype=jnp.float32)
    return inp


def _cheb_norm(edge_index, edge_weight, n):
    # PyG ChebConv.__norm__ with normalization='sym', lambda_max=2.0 (default)
    row, col = edge_index[0], edge_index[1]
    w = jnp.where(row == col, 0.0, edge_weight)               # remove_self_loops
    deg = jnp.zeros((n,), w.dtype).at[row].add(w)
    safe_deg = jnp.where(deg > 0, deg, 1.0)
    dis = jnp.where(deg > 0, safe_deg ** -0.5, 0.0)
    lw = -dis[row] * w * dis[col]                             # get_laplacian 'sym' off-diagonal
    lam = 2.0
    lw = 2.0 * lw / lam                                       # scale by 2/lambda_max
    diag = 2.0 * jnp.ones((n,), w.dtype) / lam - 1.0          # laplacian diag (1) scaled, then add_self_loops fill=-1
    loops = jnp.arange(n)
    ei = jnp.concatenate([edge_index, jnp.stack([loops, loops])], axis=1)
    norm = jnp.concatenate([lw, diag])
    return ei, norm


def _cheb_conv_k2(x, ei, norm, Wa, Wb, b):
    # ChebConv with K=2: out = T0(x) @ W0 + T1(x) @ W1 + b,  T0 = x, T1 = L_hat x
    src, dst = ei[0], ei[1]
    out = x @ Wa
    msg = norm[None, :, None] * x[:, src, :]
    tx1 = jnp.zeros(x.shape, x.dtype).at[:, dst, :].add(msg)
    out = out + tx1 @ Wb + b
    return out


def _forward(x, edge_index, edge_weight, conv_params, cW1, cb1, cW2, cb2, cW3, cb3):
    ei, norm = _cheb_norm(edge_index, edge_weight, N_ROI)
    h = x
    for i, (Wa, Wb, b) in enumerate(conv_params):
        h = _cheb_conv_k2(h, ei, norm, Wa, Wb, b)
        if i < len(conv_params) - 1:
            h = jax.nn.relu(h)
    # global_mean_pool with batch_vector = arange(B): each graph id occurs once -> identity mean
    batch = jnp.arange(h.shape[0])
    pooled = jnp.zeros(h.shape, h.dtype).at[batch].add(h)
    h = pooled.reshape(pooled.shape[0], -1)
    # classifier (Dropout is identity in eval)
    h = h @ cW1 + cb1
    h = h @ cW2 + cb2
    h = h @ cW3 + cb3
    return h


def reference(x, edge_index, edge_weight, W0a, W0b, b0, W1a, W1b, b1, W2a, W2b, b2, W3a, W3b, b3, W4a, W4b, b4, W5a, W5b, b5, cW1, cb1, cW2, cb2, cW3, cb3):
    conv_params = [(W0a, W0b, b0), (W1a, W1b, b1), (W2a, W2b, b2), (W3a, W3b, b3), (W4a, W4b, b4), (W5a, W5b, b5)]
    return _forward(x, edge_index, edge_weight, conv_params, cW1, cb1, cW2, cb2, cW3, cb3)

if __name__ == "__main__":
    import jax
    _d = setup_inputs()
    print(jax.jit(kernel)(*tuple(_d.values())))

</pallas_src>

<mosaic_0001>
#map = affine_map<(d0, d1) -> (0, 0)>
#map1 = affine_map<(d0, d1) -> (0)>
module attributes {stable_mosaic.version = 14 : i64} {
  func.func @_sc_scatter_body(%arg0: i32, %arg1: i32, %arg2: memref<2x16384xi32, #tpu.memory_space<hbm>>, %arg3: memref<16384xf32, #tpu.memory_space<hbm>>, %arg4: memref<262144xf32, #tpu.memory_space<hbm>>, %arg5: memref<16384xi32, #tpu.memory_space<vmem>>, %arg6: memref<16384xi32, #tpu.memory_space<vmem>>, %arg7: memref<16384xf32, #tpu.memory_space<vmem>>, %arg8: memref<8192xf32, #tpu.memory_space<vmem>>) attributes {dimension_semantics = [#tpu.dimension_semantics<core_parallel>, #tpu.dimension_semantics<subcore_parallel>], iteration_bounds = array<i64: 2, 16>, scalar_prefetch = 0 : i64, scratch_operands = 4 : i64, tpu.core_type = #tpu.core_type<sc_vector_subcore>, window_params = [{transform_indices = #map}, {transform_indices = #map1}, {transform_indices = #map1}]} {
    %mul3A = arith.constant 2 : i32
    %mul3A_0 = arith.muli %arg1, %mul3A : i32
    %add3A = arith.addi %mul3A_0, %arg0 : i32
    %mul3A_1 = arith.constant 16 : i32
    %mul3A_2 = arith.muli %add3A, %mul3A_1 : i32
    %run_scoped3A = arith.constant 0 : i32
    "tpu.region"() ({
      %run_scoped3A_16 = tpu.sem_alloc : memref<!tpu.dma_semaphore, #tpu.memory_space<semaphore_mem>>
      %dma_start3A = arith.constant 0 : i32
      %dma_start3A_17 = tpu.memref_slice %arg2[%run_scoped3A, %dma_start3A] : memref<2x16384xi32, #tpu.memory_space<hbm>> -> memref<1x16384xi32, #tpu.memory_space<hbm>>
      %dma_start3A_18 = tpu.memref_squeeze %dma_start3A_17 : memref<1x16384xi32, #tpu.memory_space<hbm>> -> memref<16384xi32, #tpu.memory_space<hbm>>
      %dma_start3A_19 = arith.constant 0 : i32
      %dma_start3A_20 = tpu.memref_slice %arg2[%run_scoped3A, %dma_start3A_19] : memref<2x16384xi32, #tpu.memory_space<hbm>> -> memref<1x16384xi32, #tpu.memory_space<hbm>>
      %dma_start3A_21 = tpu.memref_squeeze %dma_start3A_20 : memref<1x16384xi32, #tpu.memory_space<hbm>> -> memref<16384xi32, #tpu.memory_space<hbm>>
      tpu.enqueue_dma source(%dma_start3A_21 : memref<16384xi32, #tpu.memory_space<hbm>>) target(%arg5 : memref<16384xi32, #tpu.memory_space<vmem>>) target_semaphore(%run_scoped3A_16 : memref<!tpu.dma_semaphore, #tpu.memory_space<semaphore_mem>>)
      %dma_wait3A = arith.constant 0 : i32
      %dma_wait3A_22 = tpu.memref_slice %arg2[%run_scoped3A, %dma_wait3A] : memref<2x16384xi32, #tpu.memory_space<hbm>> -> memref<1x16384xi32, #tpu.memory_space<hbm>>
      %dma_wait3A_23 = tpu.memref_squeeze %dma_wait3A_22 : memref<1x16384xi32, #tpu.memory_space<hbm>> -> memref<16384xi32, #tpu.memory_space<hbm>>
      %dma_wait3A_24 = arith.constant 0 : i32
      %dma_wait3A_25 = tpu.memref_slice %arg2[%run_scoped3A, %dma_wait3A_24] : memref<2x16384xi32, #tpu.memory_space<hbm>> -> memref<1x16384xi32, #tpu.memory_space<hbm>>
      %dma_wait3A_26 = tpu.memref_squeeze %dma_wait3A_25 : memref<1x16384xi32, #tpu.memory_space<hbm>> -> memref<16384xi32, #tpu.memory_space<hbm>>
      tpu.wait_dma2 semaphore(%run_scoped3A_16 : memref<!tpu.dma_semaphore, #tpu.memory_space<semaphore_mem>>) src(%dma_wait3A_26 : memref<16384xi32, #tpu.memory_space<hbm>>) dst(%arg5 : memref<16384xi32, #tpu.memory_space<vmem>>)
      tpu.yield
    }) : () -> ()
    %run_scoped3A_3 = arith.constant 1 : i32
    "tpu.region"() ({
      %run_scoped3A_16 = tpu.sem_alloc : memref<!tpu.dma_semaphore, #tpu.memory_space<semaphore_mem>>
      %dma_start3A = arith.constant 0 : i32
      %dma_start3A_17 = tpu.memref_slice %arg2[%run_scoped3A_3, %dma_start3A] : memref<2x16384xi32, #tpu.memory_space<hbm>> -> memref<1x16384xi32, #tpu.memory_space<hbm>>
      %dma_start3A_18 = tpu.memref_squeeze %dma_start3A_17 : memref<1x16384xi32, #tpu.memory_space<hbm>> -> memref<16384xi32, #tpu.memory_space<hbm>>
      %dma_start3A_19 = arith.constant 0 : i32
      %dma_start3A_20 = tpu.memref_slice %arg2[%run_scoped3A_3, %dma_start3A_19] : memref<2x16384xi32, #tpu.memory_space<hbm>> -> memref<1x16384xi32, #tpu.memory_space<hbm>>
      %dma_start3A_21 = tpu.memref_squeeze %dma_start3A_20 : memref<1x16384xi32, #tpu.memory_space<hbm>> -> memref<16384xi32, #tpu.memory_space<hbm>>
      tpu.enqueue_dma source(%dma_start3A_21 : memref<16384xi32, #tpu.memory_space<hbm>>) target(%arg6 : memref<16384xi32, #tpu.memory_space<vmem>>) target_semaphore(%run_scoped3A_16 : memref<!tpu.dma_semaphore, #tpu.memory_space<semaphore_mem>>)
      %dma_wait3A = arith.constant 0 : i32
      %dma_wait3A_22 = tpu.memref_slice %arg2[%run_scoped3A_3, %dma_wait3A] : memref<2x16384xi32, #tpu.memory_space<hbm>> -> memref<1x16384xi32, #tpu.memory_space<hbm>>
      %dma_wait3A_23 = tpu.memref_squeeze %dma_wait3A_22 : memref<1x16384xi32, #tpu.memory_space<hbm>> -> memref<16384xi32, #tpu.memory_space<hbm>>
      %dma_wait3A_24 = arith.constant 0 : i32
      %dma_wait3A_25 = tpu.memref_slice %arg2[%run_scoped3A_3, %dma_wait3A_24] : memref<2x16384xi32, #tpu.memory_space<hbm>> -> memref<1x16384xi32, #tpu.memory_space<hbm>>
      %dma_wait3A_26 = tpu.memref_squeeze %dma_wait3A_25 : memref<1x16384xi32, #tpu.memory_space<hbm>> -> memref<16384xi32, #tpu.memory_space<hbm>>
      tpu.wait_dma2 semaphore(%run_scoped3A_16 : memref<!tpu.dma_semaphore, #tpu.memory_space<semaphore_mem>>) src(%dma_wait3A_26 : memref<16384xi32, #tpu.memory_space<hbm>>) dst(%arg6 : memref<16384xi32, #tpu.memory_space<vmem>>)
      tpu.yield
    }) : () -> ()
    "tpu.region"() ({
      %run_scoped3A_16 = tpu.sem_alloc : memref<!tpu.dma_semaphore, #tpu.memory_space<semaphore_mem>>
      tpu.enqueue_dma source(%arg3 : memref<16384xf32, #tpu.memory_space<hbm>>) target(%arg7 : memref<16384xf32, #tpu.memory_space<vmem>>) target_semaphore(%run_scoped3A_16 : memref<!tpu.dma_semaphore, #tpu.memory_space<semaphore_mem>>)
      tpu.wait_dma2 semaphore(%run_scoped3A_16 : memref<!tpu.dma_semaphore, #tpu.memory_space<semaphore_mem>>) src(%arg3 : memref<16384xf32, #tpu.memory_space<hbm>>) dst(%arg7 : memref<16384xf32, #tpu.memory_space<vmem>>)
      tpu.yield
    }) : () -> ()
    %broadcast_in_dim3A = arith.constant 0.000000e+00 : f32
    %broadcast_in_dim3A_4 = vector.broadcast %broadcast_in_dim3A : f32 to vector<16xf32>
    %scan3A = arith.constant 0 : i32
    %scan3A_5 = arith.constant 512 : i32
    %scan3A_6 = arith.addi %scan3A, %scan3A_5 : i32
    %scan3A_7 = arith.constant 1 : i32
    scf.for %scan3A_16 = %scan3A to %scan3A_6 step %scan3A_7  : i32 {
      %mul3A_17 = arith.constant 1 : i32
      %mul3A_18 = arith.muli %scan3A_16, %mul3A_17 : i32
      %add3A_19 = arith.constant 0 : i32
      %add3A_20 = arith.addi %add3A_19, %mul3A_18 : i32
      %mul3A_21 = arith.constant 16 : i32
      %mul3A_22 = arith.muli %add3A_20, %mul3A_21 : i32
      %swap3A = arith.index_cast %mul3A_22 : i32 to index
      %swap3A_23 = tpu.vector_load %arg8[%swap3A] {strides = array<i32>} : memref<8192xf32, #tpu.memory_space<vmem>>, vector<16xf32>,
      tpu.vector_store %arg8[%swap3A], %broadcast_in_dim3A_4 {strides = array<i32>} : memref<8192xf32, #tpu.memory_space<vmem>>, vector<16xf32>,
    }
    %scan3A_8 = arith.constant 512 : i32
    %scan3A_9 = arith.constant 0 : i32
    %scan3A_10 = arith.constant 1024 : i32
    %scan3A_11 = arith.addi %scan3A_9, %scan3A_10 : i32
    %scan3A_12 = arith.constant 1 : i32
    scf.for %scan3A_16 = %scan3A_9 to %scan3A_11 step %scan3A_12  : i32 {
      %mul3A_17 = arith.constant 1 : i32
      %mul3A_18 = arith.muli %scan3A_16, %mul3A_17 : i32
      %add3A_19 = arith.constant 0 : i32
      %add3A_20 = arith.addi %add3A_19, %mul3A_18 : i32
      %mul3A_21 = arith.constant 16 : i32
      %mul3A_22 = arith.muli %add3A_20, %mul3A_21 : i32
      %get3A = arith.index_cast %mul3A_22 : i32 to index
      %get3A_23 = tpu.vector_load %arg5[%get3A] {strides = array<i32>} : memref<16384xi32, #tpu.memory_space<vmem>>, vector<16xi32>,
      %mul3A_24 = arith.constant 16 : i32
      %mul3A_25 = arith.muli %add3A_20, %mul3A_24 : i32
      %get3A_26 = arith.index_cast %mul3A_25 : i32 to index
      %get3A_27 = tpu.vector_load %arg6[%get3A_26] {strides = array<i32>} : memref<16384xi32, #tpu.memory_space<vmem>>, vector<16xi32>,
      %mul3A_28 = arith.constant 16 : i32
      %mul3A_29 = arith.muli %add3A_20, %mul3A_28 : i32
      %get3A_30 = arith.index_cast %mul3A_29 : i32 to index
      %get3A_31 = tpu.vector_load %arg7[%get3A_30] {strides = array<i32>} : memref<16384xf32, #tpu.memory_space<vmem>>, vector<16xf32>,
      %eq3A = arith.cmpi eq, %get3A_23, %get3A_27 : vector<16xi32>
      %jit3A = arith.constant 0.000000e+00 : f32
      %broadcast_in_dim3A_32 = vector.broadcast %jit3A : f32 to vector<16xf32>
      %select_n3A = arith.select %eq3A, %broadcast_in_dim3A_32, %get3A_31 : vector<16xi1>, vector<16xf32>
      %ge3A = vector.broadcast %mul3A_2 : i32 to vector<16xi32>
      %ge3A_33 = arith.cmpi sge, %get3A_23, %ge3A : vector<16xi32>
      %add3A_34 = arith.constant 16 : i32
      %add3A_35 = arith.addi %mul3A_2, %add3A_34 : i32
      %lt3A = vector.broadcast %add3A_35 : i32 to vector<16xi32>
      %lt3A_36 = arith.cmpi slt, %get3A_23, %lt3A : vector<16xi32>
      %and3A = arith.andi %ge3A_33, %lt3A_36 : vector<16xi1>
      %sub3A = vector.broadcast %mul3A_2 : i32 to vector<16xi32>
      %sub3A_37 = arith.subi %get3A_23, %sub3A : vector<16xi32>
      %mul3A_38 = arith.constant 512 : i32
      %mul3A_39 = vector.broadcast %mul3A_38 : i32 to vector<16xi32>
      %mul3A_40 = arith.muli %sub3A_37, %mul3A_39 : vector<16xi32>
      %add3A_41 = arith.addi %mul3A_40, %get3A_27 : vector<16xi32>
      %jit3A_42 = arith.constant 0 : i32
      %broadcast_in_dim3A_43 = vector.broadcast %jit3A_42 : i32 to vector<16xi32>
      %select_n3A_44 = arith.select %and3A, %add3A_41, %broadcast_in_dim3A_43 : vector<16xi1>, vector<16xi32>
      tpu.vector_store_idx %arg8[%select_n3A_44], %select_n3A masked %and3A {add = true} : memref<8192xf32, #tpu.memory_space<vmem>>[vector<16xi32>], vector<16xf32>, vector<16xi1>
    }
    %scan3A_13 = arith.constant 1024 : i32
    %mul3A_14 = arith.constant 512 : i32
    %mul3A_15 = arith.muli %mul3A_2, %mul3A_14 : i32
    "tpu.region"() ({
      %run_scoped3A_16 = tpu.sem_alloc : memref<!tpu.dma_semaphore, #tpu.memory_space<semaphore_mem>>
      %dma_start3A = tpu.memref_slice %arg4[%mul3A_15] : memref<262144xf32, #tpu.memory_space<hbm>> -> memref<8192xf32, #tpu.memory_space<hbm>>
      %dma_start3A_17 = tpu.memref_slice %arg4[%mul3A_15] : memref<262144xf32, #tpu.memory_space<hbm>> -> memref<8192xf32, #tpu.memory_space<hbm>>
      tpu.enqueue_dma source(%arg8 : memref<8192xf32, #tpu.memory_space<vmem>>) target(%dma_start3A_17 : memref<8192xf32, #tpu.memory_space<hbm>>) target_semaphore(%run_scoped3A_16 : memref<!tpu.dma_semaphore, #tpu.memory_space<semaphore_mem>>)
      %dma_wait3A = tpu.memref_slice %arg4[%mul3A_15] : memref<262144xf32, #tpu.memory_space<hbm>> -> memref<8192xf32, #tpu.memory_space<hbm>>
      %dma_wait3A_18 = tpu.memref_slice %arg4[%mul3A_15] : memref<262144xf32, #tpu.memory_space<hbm>> -> memref<8192xf32, #tpu.memory_space<hbm>>
      tpu.wait_dma2 semaphore(%run_scoped3A_16 : memref<!tpu.dma_semaphore, #tpu.memory_space<semaphore_mem>>) src(%arg8 : memref<8192xf32, #tpu.memory_space<vmem>>) dst(%dma_wait3A_18 : memref<8192xf32, #tpu.memory_space<hbm>>)
      tpu.yield
    }) : () -> ()
    return
  }
}

module attributes {stable_mosaic.version = 14 : i64} {
  func.func @_conv_body(%arg0: i32, %arg1: memref<8x512x64xf32, #tpu.memory_space<vmem>>, %arg2: memref<512x512xf32, #tpu.memory_space<vmem>>, %arg3: memref<6x64x64xf32, #tpu.memory_space<vmem>>, %arg4: memref<6x64x64xf32, #tpu.memory_space<vmem>>, %arg5: memref<6x64xf32, #tpu.memory_space<vmem>>, %arg6: memref<8x512x64xf32, #tpu.memory_space<vmem>>) attributes {dimension_semantics = [#tpu.dimension_semantics<arbitrary>], iteration_bounds = array<i64: 8>, scalar_prefetch = 0 : i64, scratch_operands = 0 : i64, tpu.core_type = #tpu.core_type<tc>, window_params = [{transform_indices = @transform_0, window_bounds = array<i64: 8, 512, 64>}, {pipeline_mode = #tpu.pipeline_mode<synchronous>, transform_indices = @transform_1, window_bounds = array<i64: 512, 512>}, {pipeline_mode = #tpu.pipeline_mode<synchronous>, transform_indices = @transform_2, window_bounds = array<i64: 6, 64, 64>}, {pipeline_mode = #tpu.pipeline_mode<synchronous>, transform_indices = @transform_3, window_bounds = array<i64: 6, 64, 64>}, {pipeline_mode = #tpu.pipeline_mode<synchronous>, transform_indices = @transform_4, window_bounds = array<i64: 6, 64>}, {transform_indices = @transform_5, window_bounds = array<i64: 8, 512, 64>}]} {
    %get3A = arith.constant 0 : index
    %get3A_0 = arith.constant 0 : index
    %get3A_1 = vector.load %arg2[%get3A, %get3A_0] : memref<512x512xf32, #tpu.memory_space<vmem>>, vector<512x512xf32>
    %reduce_sum3A = arith.constant dense<0.000000e+00> : vector<512xf32>
    %reduce_sum3A_2 = vector.multi_reduction <add>, %get3A_1, %reduce_sum3A [1] : vector<512x512xf32> to vector<512xf32>
    %gt3A = arith.constant 0.000000e+00 : f32
    %gt3A_3 = vector.broadcast %gt3A : f32 to vector<512xf32>
    %gt3A_4 = arith.cmpf ogt, %reduce_sum3A_2, %gt3A_3 : vector<512xf32>
    %jit3A = arith.constant 1.000000e+00 : f32
    %broadcast_in_dim3A = vector.broadcast %jit3A : f32 to vector<512xf32>
    %select_n3A = arith.select %gt3A_4, %reduce_sum3A_2, %broadcast_in_dim3A : vector<512xi1>, vector<512xf32>
    %rsqrt3A = math.rsqrt %select_n3A : vector<512xf32>
    %jit3A_5 = arith.constant 0.000000e+00 : f32
    %broadcast_in_dim3A_6 = vector.broadcast %jit3A_5 : f32 to vector<512xf32>
    %select_n3A_7 = arith.select %gt3A_4, %rsqrt3A, %broadcast_in_dim3A_6 : vector<512xi1>, vector<512xf32>
    %broadcast_in_dim3A_8 = vector.shape_cast %select_n3A_7 : vector<512xf32> to vector<512x1xf32>
    %neg3A = arith.constant 0.000000e+00 : f32
    %neg3A_9 = vector.broadcast %neg3A : f32 to vector<512x1xf32>
    %neg3A_10 = arith.subf %neg3A_9, %broadcast_in_dim3A_8 : vector<512x1xf32>
    %broadcast_in_dim3A_11 = vector.shape_cast %select_n3A_7 : vector<512xf32> to vector<1x512xf32>
    %mul3A = vector.broadcast %neg3A_10 : vector<512x1xf32> to vector<512x512xf32>
    %mul3A_12 = vector.broadcast %broadcast_in_dim3A_11 : vector<1x512xf32> to vector<512x512xf32>
    %mul3A_13 = arith.mulf %mul3A, %mul3A_12 : vector<512x512xf32>
    %mul3A_14 = arith.mulf %mul3A_13, %get3A_1 : vector<512x512xf32>
    %get3A_15 = arith.constant 0 : index
    %get3A_16 = arith.constant 0 : index
    %get3A_17 = arith.constant 0 : index
    %get3A_18 = vector.load %arg1[%get3A_15, %get3A_16, %get3A_17] : memref<8x512x64xf32, #tpu.memory_space<vmem>>, vector<1x512x64xf32>
    %get3A_19 = vector.shape_cast %get3A_18 : vector<1x512x64xf32> to vector<512x64xf32>
    %dot_general3A = arith.constant dense<0.000000e+00> : vector<64x512xf32>
    %dot_general3A_20 = tpu.matmul %get3A_19, %mul3A_14, %dot_general3A {dimension_numbers = #tpu.dot_dimension_numbers<[0], [0], [1], [1], [0, 1, 1, 1], [], []>, precision = #tpu.contract_precision<fp32>, transpose_lhs_hint = false} : vector<512x64xf32>, vector<512x512xf32>, vector<64x512xf32> -> vector<64x512xf32>
    %get3A_21 = arith.constant 0 : index
    %get3A_22 = arith.constant 0 : index
    %get3A_23 = arith.constant 0 : index
    %get3A_24 = vector.load %arg3[%get3A_21, %get3A_22, %get3A_23] : memref<6x64x64xf32, #tpu.memory_space<vmem>>, vector<1x64x64xf32>
    %get3A_25 = vector.shape_cast %get3A_24 : vector<1x64x64xf32> to vector<64x64xf32>
    %dot_general3A_26 = arith.constant dense<0.000000e+00> : vector<64x512xf32>
    %dot_general3A_27 = tpu.matmul %get3A_25, %get3A_19, %dot_general3A_26 {dimension_numbers = #tpu.dot_dimension_numbers<[0], [1], [1], [0], [0, 1, 1, 0], [], []>, transpose_lhs_hint = false} : vector<64x64xf32>, vector<512x64xf32>, vector<64x512xf32> -> vector<64x512xf32>
    %get3A_28 = arith.constant 0 : index
    %get3A_29 = arith.constant 0 : index
    %get3A_30 = arith.constant 0 : index
    %get3A_31 = vector.load %arg4[%get3A_28, %get3A_29, %get3A_30] : memref<6x64x64xf32, #tpu.memory_space<vmem>>, vector<1x64x64xf32>
    %get3A_32 = vector.shape_cast %get3A_31 : vector<1x64x64xf32> to vector<64x64xf32>
    %dot_general3A_33 = arith.constant dense<0.000000e+00> : vector<64x512xf32>
    %dot_general3A_34 = tpu.matmul %get3A_32, %dot_general3A_20, %dot_general3A_33 {dimension_numbers = #tpu.dot_dimension_numbers<[0], [0], [1], [1], [0, 1, 1, 1], [], []>, transpose_lhs_hint = false} : vector<64x64xf32>, vector<64x512xf32>, vector<64x512xf32> -> vector<64x512xf32>
    %add3A = arith.addf %dot_general3A_27, %dot_general3A_34 : vector<64x512xf32>
    %get3A_35 = arith.constant 0 : index
    %get3A_36 = arith.constant 0 : index
    %get3A_37 = vector.load %arg5[%get3A_35, %get3A_36] : memref<6x64xf32, #tpu.memory_space<vmem>>, vector<1x64xf32>
    %get3A_38 = vector.shape_cast %get3A_37 : vector<1x64xf32> to vector<64xf32>
    %broadcast_in_dim3A_39 = vector.shape_cast %get3A_38 : vector<64xf32> to vector<64x1xf32>
    %add3A_40 = vector.broadcast %broadcast_in_dim3A_39 : vector<64x1xf32> to vector<64x512xf32>
    %add3A_41 = arith.addf %add3A, %add3A_40 : vector<64x512xf32>
    %get3A_42 = arith.constant 1 : index
    %get3A_43 = arith.constant 0 : index
    %get3A_44 = arith.constant 0 : index
    %get3A_45 = vector.load %arg1[%get3A_42, %get3A_43, %get3A_44] : memref<8x512x64xf32, #tpu.memory_space<vmem>>, vector<1x512x64xf32>
    %get3A_46 = vector.shape_cast %get3A_45 : vector<1x512x64xf32> to vector<512x64xf32>
    %dot_general3A_47 = arith.constant dense<0.000000e+00> : vector<64x512xf32>
    %dot_general3A_48 = tpu.matmul %get3A_46, %mul3A_14, %dot_general3A_47 {dimension_numbers = #tpu.dot_dimension_numbers<[0], [0], [1], [1], [0, 1, 1, 1], [], []>, precision = #tpu.contract_precision<fp32>, transpose_lhs_hint = false} : vector<512x64xf32>, vector<512x512xf32>, vector<64x512xf32> -> vector<64x512xf32>
    %get3A_49 = arith.constant 0 : index
    %get3A_50 = arith.constant 0 : index
    %get3A_51 = arith.constant 0 : index
    %get3A_52 = vector.load %arg3[%get3A_49, %get3A_50, %get3A_51] : memref<6x64x64xf32, #tpu.memory_space<vmem>>, vector<1x64x64xf32>
    %get3A_53 = vector.shape_cast %get3A_52 : vector<1x64x64xf32> to vector<64x64xf32>
    %dot_general3A_54 = arith.constant dense<0.000000e+00> : vector<64x512xf32>
    %dot_general3A_55 = tpu.matmul %get3A_53, %get3A_46, %dot_general3A_54 {dimension_numbers = #tpu.dot_dimension_numbers<[0], [1], [1], [0], [0, 1, 1, 0], [], []>, transpose_lhs_hint = false} : vector<64x64xf32>, vector<512x64xf32>, vector<64x512xf32> -> vector<64x512xf32>
    %get3A_56 = arith.constant 0 : index
    %get3A_57 = arith.constant 0 : index
    %get3A_58 = arith.constant 0 : index
    %get3A_59 = vector.load %arg4[%get3A_56, %get3A_57, %get3A_58] : memref<6x64x64xf32, #tpu.memory_space<vmem>>, vector<1x64x64xf32>
    %get3A_60 = vector.shape_cast %get3A_59 : vector<1x64x64xf32> to vector<64x64xf32>
    %dot_general3A_61 = arith.constant dense<0.000000e+00> : vector<64x512xf32>
    %dot_general3A_62 = tpu.matmul %get3A_60, %dot_general3A_48, %dot_general3A_61 {dimension_numbers = #tpu.dot_dimension_numbers<[0], [0], [1], [1], [0, 1, 1, 1], [], []>, transpose_lhs_hint = false} : vector<64x64xf32>, vector<64x512xf32>, vector<64x512xf32> -> vector<64x512xf32>
    %add3A_63 = arith.addf %dot_general3A_55, %dot_general3A_62 : vector<64x512xf32>
    %get3A_64 = arith.constant 0 : index
    %get3A_65 = arith.constant 0 : index
    %get3A_66 = vector.load %arg5[%get3A_64, %get3A_65] : memref<6x64xf32, #tpu.memory_space<vmem>>, vector<1x64xf32>
    %get3A_67 = vector.shape_cast %get3A_66 : vector<1x64xf32> to vector<64xf32>
    %broadcast_in_dim3A_68 = vector.shape_cast %get3A_67 : vector<64xf32> to vector<64x1xf32>
    %add3A_69 = vector.broadcast %broadcast_in_dim3A_68 : vector<64x1xf32> to vector<64x512xf32>
    %add3A_70 = arith.addf %add3A_63, %add3A_69 : vector<64x512xf32>
    %get3A_71 = arith.constant 2 : index
    %get3A_72 = arith.constant 0 : index
    %get3A_73 = arith.constant 0 : index
    %get3A_74 = vector.load %arg1[%get3A_71, %get3A_72, %get3A_73] : memref<8x512x64xf32, #tpu.memory_space<vmem>>, vector<1x512x64xf32>
    %get3A_75 = vector.shape_cast %get3A_74 : vector<1x512x64xf32> to vector<512x64xf32>
    %dot_general3A_76 = arith.constant dense<0.000000e+00> : vector<64x512xf32>
    %dot_general3A_77 = tpu.matmul %get3A_75, %mul3A_14, %dot_general3A_76 {dimension_numbers = #tpu.dot_dimension_numbers<[0], [0], [1], [1], [0, 1, 1, 1], [], []>, precision = #tpu.contract_precision<fp32>, transpose_lhs_hint = false} : vector<512x64xf32>, vector<512x512xf32>, vector<64x512xf32> -> vector<64x512xf32>
    %get3A_78 = arith.constant 0 : index
    %get3A_79 = arith.constant 0 : index
    %get3A_80 = arith.constant 0 : index
    %get3A_81 = vector.load %arg3[%get3A_78, %get3A_79, %get3A_80] : memref<6x64x64xf32, #tpu.memory_space<vmem>>, vector<1x64x64xf32>
    %get3A_82 = vector.shape_cast %get3A_81 : vector<1x64x64xf32> to vector<64x64xf32>
    %dot_general3A_83 = arith.constant dense<0.000000e+00> : vector<64x512xf32>
    %dot_general3A_84 = tpu.matmul %get3A_82, %get3A_75, %dot_general3A_83 {dimension_numbers = #tpu.dot_dimension_numbers<[0], [1], [1], [0], [0, 1, 1, 0], [], []>, transpose_lhs_hint = false} : vector<64x64xf32>, vector<512x64xf32>, vector<64x512xf32> -> vector<64x512xf32>
    %get3A_85 = arith.constant 0 : index
    %get3A_86 = arith.constant 0 : index
    %get3A_87 = arith.constant 0 : index
    %get3A_88 = vector.load %arg4[%get3A_85, %get3A_86, %get3A_87] : memref<6x64x64xf32, #tpu.memory_space<vmem>>, vector<1x64x64xf32>
    %get3A_89 = vector.shape_cast %get3A_88 : vector<1x64x64xf32> to vector<64x64xf32>
    %dot_general3A_90 = arith.constant dense<0.000000e+00> : vector<64x512xf32>
    %dot_general3A_91 = tpu.matmul %get3A_89, %dot_general3A_77, %dot_general3A_90 {dimension_numbers = #tpu.dot_dimension_numbers<[0], [0], [1], [1], [0, 1, 1, 1], [], []>, transpose_lhs_hint = false} : vector<64x64xf32>, vector<64x512xf32>, vector<64x512xf32> -> vector<64x512xf32>
    %add3A_92 = arith.addf %dot_general3A_84, %dot_general3A_91 : vector<64x512xf32>
    %get3A_93 = arith.constant 0 : index
    %get3A_94 = arith.constant 0 : index
    %get3A_95 = vector.load %arg5[%get3A_93, %get3A_94] : memref<6x64xf32, #tpu.memory_space<vmem>>, vector<1x64xf32>
    %get3A_96 = vector.shape_cast %get3A_95 : vector<1x64xf32> to vector<64xf32>
    %broadcast_in_dim3A_97 = vector.shape_cast %get3A_96 : vector<64xf32> to vector<64x1xf32>
    %add3A_98 = vector.broadcast %broadcast_in_dim3A_97 : vector<64x1xf32> to vector<64x512xf32>
    %add3A_99 = arith.addf %add3A_92, %add3A_98 : vector<64x512xf32>
    %get3A_100 = arith.constant 3 : index
    %get3A_101 = arith.constant 0 : index
    %get3A_102 = arith.constant 0 : index
    %get3A_103 = vector.load %arg1[%get3A_100, %get3A_101, %get3A_102] : memref<8x512x64xf32, #tpu.memory_space<vmem>>, vector<1x512x64xf32>
    %get3A_104 = vector.shape_cast %get3A_103 : vector<1x512x64xf32> to vector<512x64xf32>
    %dot_general3A_105 = arith.constant dense<0.000000e+00> : vector<64x512xf32>
    %dot_general3A_106 = tpu.matmul %get3A_104, %mul3A_14, %dot_general3A_105 {dimension_numbers = #tpu.dot_dimension_numbers<[0], [0], [1], [1], [0, 1, 1, 1], [], []>, precision = #tpu.contract_precision<fp32>, transpose_lhs_hint = false} : vector<512x64xf32>, vector<512x512xf32>, vector<64x512xf32> -> vector<64x512xf32>
    %get3A_107 = arith.constant 0 : index
    %get3A_108 = arith.constant 0 : index
    %get3A_109 = arith.constant 0 : index
    %get3A_110 = vector.load %arg3[%get3A_107, %get3A_108, %get3A_109] : memref<6x64x64xf32, #tpu.memory_space<vmem>>, vector<1x64x64xf32>
    %get3A_111 = vector.shape_cast %get3A_110 : vector<1x64x64xf32> to vector<64x64xf32>
    %dot_general3A_112 = arith.constant dense<0.000000e+00> : vector<64x512xf32>
    %dot_general3A_113 = tpu.matmul %get3A_111, %get3A_104, %dot_general3A_112 {dimension_numbers = #tpu.dot_dimension_numbers<[0], [1], [1], [0], [0, 1, 1, 0], [], []>, transpose_lhs_hint = false} : vector<64x64xf32>, vector<512x64xf32>, vector<64x512xf32> -> vector<64x512xf32>
    %get3A_114 = arith.constant 0 : index
    %get3A_115 = arith.constant 0 : index
    %get3A_116 = arith.constant 0 : index
    %get3A_117 = vector.load %arg4[%get3A_114, %get3A_115, %get3A_116] : memref<6x64x64xf32, #tpu.memory_space<vmem>>, vector<1x64x64xf32>
    %get3A_118 = vector.shape_cast %get3A_117 : vector<1x64x64xf32> to vector<64x64xf32>
    %dot_general3A_119 = arith.constant dense<0.000000e+00> : vector<64x512xf32>
    %dot_general3A_120 = tpu.matmul %get3A_118, %dot_general3A_106, %dot_general3A_119 {dimension_numbers = #tpu.dot_dimension_numbers<[0], [0], [1], [1], [0, 1, 1, 1], [], []>, transpose_lhs_hint = false} : vector<64x64xf32>, vector<64x512xf32>, vector<64x512xf32> -> vector<64x512xf32>
    %add3A_121 = arith.addf %dot_general3A_113, %dot_general3A_120 : vector<64x512xf32>
    %get3A_122 = arith.constant 0 : index
    %get3A_123 = arith.constant 0 : index
    %get3A_124 = vector.load %arg5[%get3A_122, %get3A_123] : memref<6x64xf32, #tpu.memory_space<vmem>>, vector<1x64xf32>
    %get3A_125 = vector.shape_cast %get3A_124 : vector<1x64xf32> to vector<64xf32>
    %broadcast_in_dim3A_126 = vector.shape_cast %get3A_125 : vector<64xf32> to vector<64x1xf32>
    %add3A_127 = vector.broadcast %broadcast_in_dim3A_126 : vector<64x1xf32> to vector<64x512xf32>
    %add3A_128 = arith.addf %add3A_121, %add3A_127 : vector<64x512xf32>
    %get3A_129 = arith.constant 4 : index
    %get3A_130 = arith.constant 0 : index
    %get3A_131 = arith.constant 0 : index
    %get3A_132 = vector.load %arg1[%get3A_129, %get3A_130, %get3A_131] : memref<8x512x64xf32, #tpu.memory_space<vmem>>, vector<1x512x64xf32>
    %get3A_133 = vector.shape_cast %get3A_132 : vector<1x512x64xf32> to vector<512x64xf32>
    %dot_general3A_134 = arith.constant dense<0.000000e+00> : vector<64x512xf32>
    %dot_general3A_135 = tpu.matmul %get3A_133, %mul3A_14, %dot_general3A_134 {dimension_numbers = #tpu.dot_dimension_numbers<[0], [0], [1], [1], [0, 1, 1, 1], [], []>, precision = #tpu.contract_precision<fp32>, transpose_lhs_hint = false} : vector<512x64xf32>, vector<512x512xf32>, vector<64x512xf32> -> vector<64x512xf32>
    %get3A_136 = arith.constant 0 : index
    %get3A_137 = arith.constant 0 : index
    %get3A_138 = arith.constant 0 : index
    %get3A_139 = vector.load %arg3[%get3A_136, %get3A_137, %get3A_138] : memref<6x64x64xf32, #tpu.memory_space<vmem>>, vector<1x64x64xf32>
    %get3A_140 = vector.shape_cast %get3A_139 : vector<1x64x64xf32> to vector<64x64xf32>
    %dot_general3A_141 = arith.constant dense<0.000000e+00> : vector<64x512xf32>
    %dot_general3A_142 = tpu.matmul %get3A_140, %get3A_133, %dot_general3A_141 {dimension_numbers = #tpu.dot_dimension_numbers<[0], [1], [1], [0], [0, 1, 1, 0], [], []>, transpose_lhs_hint = false} : vector<64x64xf32>, vector<512x64xf32>, vector<64x512xf32> -> vector<64x512xf32>
    %get3A_143 = arith.constant 0 : index
    %get3A_144 = arith.constant 0 : index
    %get3A_145 = arith.constant 0 : index
    %get3A_146 = vector.load %arg4[%get3A_143, %get3A_144, %get3A_145] : memref<6x64x64xf32, #tpu.memory_space<vmem>>, vector<1x64x64xf32>
    %get3A_147 = vector.shape_cast %get3A_146 : vector<1x64x64xf32> to vector<64x64xf32>
    %dot_general3A_148 = arith.constant dense<0.000000e+00> : vector<64x512xf32>
    %dot_general3A_149 = tpu.matmul %get3A_147, %dot_general3A_135, %dot_general3A_148 {dimension_numbers = #tpu.dot_dimension_numbers<[0], [0], [1], [1], [0, 1, 1, 1], [], []>, transpose_lhs_hint = false} : vector<64x64xf32>, vector<64x512xf32>, vector<64x512xf32> -> vector<64x512xf32>
    %add3A_150 = arith.addf %dot_general3A_142, %dot_general3A_149 : vector<64x512xf32>
    %get3A_151 = arith.constant 0 : index
    %get3A_152 = arith.constant 0 : index
    %get3A_153 = vector.load %arg5[%get3A_151, %get3A_152] : memref<6x64xf32, #tpu.memory_space<vmem>>, vector<1x64xf32>
    %get3A_154 = vector.shape_cast %get3A_153 : vector<1x64xf32> to vector<64xf32>
    %broadcast_in_dim3A_155 = vector.shape_cast %get3A_154 : vector<64xf32> to vector<64x1xf32>
    %add3A_156 = vector.broadcast %broadcast_in_dim3A_155 : vector<64x1xf32> to vector<64x512xf32>
    %add3A_157 = arith.addf %add3A_150, %add3A_156 : vector<64x512xf32>
    %get3A_158 = arith.constant 5 : index
    %get3A_159 = arith.constant 0 : index
    %get3A_160 = arith.constant 0 : index
    %get3A_161 = vector.load %arg1[%get3A_158, %get3A_159, %get3A_160] : memref<8x512x64xf32, #tpu.memory_space<vmem>>, vector<1x512x64xf32>
    %get3A_162 = vector.shape_cast %get3A_161 : vector<1x512x64xf32> to vector<512x64xf32>
    %dot_general3A_163 = arith.constant dense<0.000000e+00> : vector<64x512xf32>
    %dot_general3A_164 = tpu.matmul %get3A_162, %mul3A_14, %dot_general3A_163 {dimension_numbers = #tpu.dot_dimension_numbers<[0], [0], [1], [1], [0, 1, 1, 1], [], []>, precision = #tpu.contract_precision<fp32>, transpose_lhs_hint = false} : vector<512x64xf32>, vector<512x512xf32>, vector<64x512xf32> -> vector<64x512xf32>
    %get3A_165 = arith.constant 0 : index
    %get3A_166 = arith.constant 0 : index
    %get3A_167 = arith.constant 0 : index
    %get3A_168 = vector.load %arg3[%get3A_165, %get3A_166, %get3A_167] : memref<6x64x64xf32, #tpu.memory_space<vmem>>, vector<1x64x64xf32>
    %get3A_169 = vector.shape_cast %get3A_168 : vector<1x64x64xf32> to vector<64x64xf32>
    %dot_general3A_170 = arith.constant dense<0.000000e+00> : vector<64x512xf32>
    %dot_general3A_171 = tpu.matmul %get3A_169, %get3A_162, %dot_general3A_170 {dimension_numbers = #tpu.dot_dimension_numbers<[0], [1], [1], [0], [0, 1, 1, 0], [], []>, transpose_lhs_hint = false} : vector<64x64xf32>, vector<512x64xf32>, vector<64x512xf32> -> vector<64x512xf32>
    %get3A_172 = arith.constant 0 : index
    %get3A_173 = arith.constant 0 : index
    %get3A_174 = arith.constant 0 : index
    %get3A_175 = vector.load %arg4[%get3A_172, %get3A_173, %get3A_174] : memref<6x64x64xf32, #tpu.memory_space<vmem>>, vector<1x64x64xf32>
    %get3A_176 = vector.shape_cast %get3A_175 : vector<1x64x64xf32> to vector<64x64xf32>
    %dot_general3A_177 = arith.constant dense<0.000000e+00> : vector<64x512xf32>
    %dot_general3A_178 = tpu.matmul %get3A_176, %dot_general3A_164, %dot_general3A_177 {dimension_numbers = #tpu.dot_dimension_numbers<[0], [0], [1], [1], [0, 1, 1, 1], [], []>, transpose_lhs_hint = false} : vector<64x64xf32>, vector<64x512xf32>, vector<64x512xf32> -> vector<64x512xf32>
    %add3A_179 = arith.addf %dot_general3A_171, %dot_general3A_178 : vector<64x512xf32>
    %get3A_180 = arith.constant 0 : index
    %get3A_181 = arith.constant 0 : index
    %get3A_182 = vector.load %arg5[%get3A_180, %get3A_181] : memref<6x64xf32, #tpu.memory_space<vmem>>, vector<1x64xf32>
    %get3A_183 = vector.shape_cast %get3A_182 : vector<1x64xf32> to vector<64xf32>
    %broadcast_in_dim3A_184 = vector.shape_cast %get3A_183 : vector<64xf32> to vector<64x1xf32>
    %add3A_185 = vector.broadcast %broadcast_in_dim3A_184 : vector<64x1xf32> to vector<64x512xf32>
    %add3A_186 = arith.addf %add3A_179, %add3A_185 : vector<64x512xf32>
    %get3A_187 = arith.constant 6 : index
    %get3A_188 = arith.constant 0 : index
    %get3A_189 = arith.constant 0 : index
    %get3A_190 = vector.load %arg1[%get3A_187, %get3A_188, %get3A_189] : memref<8x512x64xf32, #tpu.memory_space<vmem>>, vector<1x512x64xf32>
    %get3A_191 = vector.shape_cast %get3A_190 : vector<1x512x64xf32> to vector<512x64xf32>
    %dot_general3A_192 = arith.constant dense<0.000000e+00> : vector<64x512xf32>
    %dot_general3A_193 = tpu.matmul %get3A_191, %mul3A_14, %dot_general3A_192 {dimension_numbers = #tpu.dot_dimension_numbers<[0], [0], [1], [1], [0, 1, 1, 1], [], []>, precision = #tpu.contract_precision<fp32>, transpose_lhs_hint = false} : vector<512x64xf32>, vector<512x512xf32>, vector<64x512xf32> -> vector<64x512xf32>
    %get3A_194 = arith.constant 0 : index
    %get3A_195 = arith.constant 0 : index
    %get3A_196 = arith.constant 0 : index
    %get3A_197 = vector.load %arg3[%get3A_194, %get3A_195, %get3A_196] : memref<6x64x64xf32, #tpu.memory_space<vmem>>, vector<1x64x64xf32>
    %get3A_198 = vector.shape_cast %get3A_197 : vector<1x64x64xf32> to vector<64x64xf32>
    %dot_general3A_199 = arith.constant dense<0.000000e+00> : vector<64x512xf32>
    %dot_general3A_200 = tpu.matmul %get3A_198, %get3A_191, %dot_general3A_199 {dimension_numbers = #tpu.dot_dimension_numbers<[0], [1], [1], [0], [0, 1, 1, 0], [], []>, transpose_lhs_hint = false} : vector<64x64xf32>, vector<512x64xf32>, vector<64x512xf32> -> vector<64x512xf32>
    %get3A_201 = arith.constant 0 : index
    %get3A_202 = arith.constant 0 : index
    %get3A_203 = arith.constant 0 : index
    %get3A_204 = vector.load %arg4[%get3A_201, %get3A_202, %get3A_203] : memref<6x64x64xf32, #tpu.memory_space<vmem>>, vector<1x64x64xf32>
    %get3A_205 = vector.shape_cast %get3A_204 : vector<1x64x64xf32> to vector<64x64xf32>
    %dot_general3A_206 = arith.constant dense<0.000000e+00> : vector<64x512xf32>
    %dot_general3A_207 = tpu.matmul %get3A_205, %dot_general3A_193, %dot_general3A_206 {dimension_numbers = #tpu.dot_dimension_numbers<[0], [0], [1], [1], [0, 1, 1, 1], [], []>, transpose_lhs_hint = false} : vector<64x64xf32>, vector<64x512xf32>, vector<64x512xf32> -> vector<64x512xf32>
    %add3A_208 = arith.addf %dot_general3A_200, %dot_general3A_207 : vector<64x512xf32>
    %get3A_209 = arith.constant 0 : index
    %get3A_210 = arith.constant 0 : index
    %get3A_211 = vector.load %arg5[%get3A_209, %get3A_210] : memref<6x64xf32, #tpu.memory_space<vmem>>, vector<1x64xf32>
    %get3A_212 = vector.shape_cast %get3A_211 : vector<1x64xf32> to vector<64xf32>
    %broadcast_in_dim3A_213 = vector.shape_cast %get3A_212 : vector<64xf32> to vector<64x1xf32>
    %add3A_214 = vector.broadcast %broadcast_in_dim3A_213 : vector<64x1xf32> to vector<64x512xf32>
    %add3A_215 = arith.addf %add3A_208, %add3A_214 : vector<64x512xf32>
    %get3A_216 = arith.constant 7 : index
    %get3A_217 = arith.constant 0 : index
    %get3A_218 = arith.constant 0 : index
    %get3A_219 = vector.load %arg1[%get3A_216, %get3A_217, %get3A_218] : memref<8x512x64xf32, #tpu.memory_space<vmem>>, vector<1x512x64xf32>
    %get3A_220 = vector.shape_cast %get3A_219 : vector<1x512x64xf32> to vector<512x64xf32>
    %dot_general3A_221 = arith.constant dense<0.000000e+00> : vector<64x512xf32>
    %dot_general3A_222 = tpu.matmul %get3A_220, %mul3A_14, %dot_general3A_221 {dimension_numbers = #tpu.dot_dimension_numbers<[0], [0], [1], [1], [0, 1, 1, 1], [], []>, precision = #tpu.contract_precision<fp32>, transpose_lhs_hint = false} : vector<512x64xf32>, vector<512x512xf32>, vector<64x512xf32> -> vector<64x512xf32>
    %get3A_223 = arith.constant 0 : index
    %get3A_224 = arith.constant 0 : index
    %get3A_225 = arith.constant 0 : index
    %get3A_226 = vector.load %arg3[%get3A_223, %get3A_224, %get3A_225] : memref<6x64x64xf32, #tpu.memory_space<vmem>>, vector<1x64x64xf32>
    %get3A_227 = vector.shape_cast %get3A_226 : vector<1x64x64xf32> to vector<64x64xf32>
    %dot_general3A_228 = arith.constant dense<0.000000e+00> : vector<64x512xf32>
    %dot_general3A_229 = tpu.matmul %get3A_227, %get3A_220, %dot_general3A_228 {dimension_numbers = #tpu.dot_dimension_numbers<[0], [1], [1], [0], [0, 1, 1, 0], [], []>, transpose_lhs_hint = false} : vector<64x64xf32>, vector<512x64xf32>, vector<64x512xf32> -> vector<64x512xf32>
    %get3A_230 = arith.constant 0 : index
    %get3A_231 = arith.constant 0 : index
    %get3A_232 = arith.constant 0 : index
    %get3A_233 = vector.load %arg4[%get3A_230, %get3A_231, %get3A_232] : memref<6x64x64xf32, #tpu.memory_space<vmem>>, vector<1x64x64xf32>
    %get3A_234 = vector.shape_cast %get3A_233 : vector<1x64x64xf32> to vector<64x64xf32>
    %dot_general3A_235 = arith.constant dense<0.000000e+00> : vector<64x512xf32>
    %dot_general3A_236 = tpu.matmul %get3A_234, %dot_general3A_222, %dot_general3A_235 {dimension_numbers = #tpu.dot_dimension_numbers<[0], [0], [1], [1], [0, 1, 1, 1], [], []>, transpose_lhs_hint = false} : vector<64x64xf32>, vector<64x512xf32>, vector<64x512xf32> -> vector<64x512xf32>
    %add3A_237 = arith.addf %dot_general3A_229, %dot_general3A_236 : vector<64x512xf32>
    %get3A_238 = arith.constant 0 : index
    %get3A_239 = arith.constant 0 : index
    %get3A_240 = vector.load %arg5[%get3A_238, %get3A_239] : memref<6x64xf32, #tpu.memory_space<vmem>>, vector<1x64xf32>
    %get3A_241 = vector.shape_cast %get3A_240 : vector<1x64xf32> to vector<64xf32>
    %broadcast_in_dim3A_242 = vector.shape_cast %get3A_241 : vector<64xf32> to vector<64x1xf32>
    %add3A_243 = vector.broadcast %broadcast_in_dim3A_242 : vector<64x1xf32> to vector<64x512xf32>
    %add3A_244 = arith.addf %add3A_237, %add3A_243 : vector<64x512xf32>
    %concatenate3A = tpu.concatenate %add3A_41, %add3A_70, %add3A_99, %add3A_128, %add3A_157, %add3A_186, %add3A_215, %add3A_244 in 0 : vector<64x512xf32>, vector<64x512xf32>, vector<64x512xf32>, vector<64x512xf32>, vector<64x512xf32>, vector<64x512xf32>, vector<64x512xf32>, vector<64x512xf32> -> vector<512x512xf32>
    %max3A = arith.constant 0.000000e+00 : f32
    %max3A_245 = vector.broadcast %max3A : f32 to vector<512x512xf32>
    %max3A_246 = arith.maximumf %concatenate3A, %max3A_245 : vector<512x512xf32>
    %get3A_247 = arith.constant 1 : index
    %get3A_248 = arith.constant 0 : index
    %get3A_249 = arith.constant 0 : index
    %get3A_250 = vector.load %arg3[%get3A_247, %get3A_248, %get3A_249] : memref<6x64x64xf32, #tpu.memory_space<vmem>>, vector<1x64x64xf32>
    %get3A_251 = vector.shape_cast %get3A_250 : vector<1x64x64xf32> to vector<64x64xf32>
    %get3A_252 = arith.constant 1 : index
    %get3A_253 = arith.constant 0 : index
    %get3A_254 = arith.constant 0 : index
    %get3A_255 = vector.load %arg4[%get3A_252, %get3A_253, %get3A_254] : memref<6x64x64xf32, #tpu.memory_space<vmem>>, vector<1x64x64xf32>
    %get3A_256 = vector.shape_cast %get3A_255 : vector<1x64x64xf32> to vector<64x64xf32>
    %get3A_257 = arith.constant 1 : index
    %get3A_258 = arith.constant 0 : index
    %get3A_259 = vector.load %arg5[%get3A_257, %get3A_258] : memref<6x64xf32, #tpu.memory_space<vmem>>, vector<1x64xf32>
    %get3A_260 = vector.shape_cast %get3A_259 : vector<1x64xf32> to vector<64xf32>
    %broadcast_in_dim3A_261 = vector.shape_cast %get3A_260 : vector<64xf32> to vector<64x1xf32>
    %dot_general3A_262 = arith.constant dense<0.000000e+00> : vector<512x512xf32>
    %dot_general3A_263 = tpu.matmul %max3A_246, %mul3A_14, %dot_general3A_262 {dimension_numbers = #tpu.dot_dimension_numbers<[1], [0], [0], [1], [0, 0, 1, 1], [], []>, precision = #tpu.contract_precision<fp32>, transpose_lhs_hint = false} : vector<512x512xf32>, vector<512x512xf32>, vector<512x512xf32> -> vector<512x512xf32>
    %slice3A = vector.extract_strided_slice %max3A_246 {offsets = [0, 0], sizes = [64, 512], strides = [1, 1]} : vector<512x512xf32> to vector<64x512xf32>
    %slice3A_264 = vector.extract_strided_slice %dot_general3A_263 {offsets = [0, 0], sizes = [64, 512], strides = [1, 1]} : vector<512x512xf32> to vector<64x512xf32>
    %dot_general3A_265 = arith.constant dense<0.000000e+00> : vector<64x512xf32>
    %dot_general3A_266 = tpu.matmul %get3A_251, %slice3A, %dot_general3A_265 {dimension_numbers = #tpu.dot_dimension_numbers<[0], [0], [1], [1], [0, 1, 1, 1], [], []>, transpose_lhs_hint = false} : vector<64x64xf32>, vector<64x512xf32>, vector<64x512xf32> -> vector<64x512xf32>
    %dot_general3A_267 = arith.constant dense<0.000000e+00> : vector<64x512xf32>
    %dot_general3A_268 = tpu.matmul %get3A_256, %slice3A_264, %dot_general3A_267 {dimension_numbers = #tpu.dot_dimension_numbers<[0], [0], [1], [1], [0, 1, 1, 1], [], []>, transpose_lhs_hint = false} : vector<64x64xf32>, vector<64x512xf32>, vector<64x512xf32> -> vector<64x512xf32>
    %add3A_269 = arith.addf %dot_general3A_266, %dot_general3A_268 : vector<64x512xf32>
    %add3A_270 = vector.broadcast %broadcast_in_dim3A_261 : vector<64x1xf32> to vector<64x512xf32>
    %add3A_271 = arith.addf %add3A_269, %add3A_270 : vector<64x512xf32>
    %slice3A_272 = vector.extract_strided_slice %max3A_246 {offsets = [64, 0], sizes = [64, 512], strides = [1, 1]} : vector<512x512xf32> to vector<64x512xf32>
    %slice3A_273 = vector.extract_strided_slice %dot_general3A_263 {offsets = [64, 0], sizes = [64, 512], strides = [1, 1]} : vector<512x512xf32> to vector<64x512xf32>
    %dot_general3A_274 = arith.constant dense<0.000000e+00> : vector<64x512xf32>
    %dot_general3A_275 = tpu.matmul %get3A_251, %slice3A_272, %dot_general3A_274 {dimension_numbers = #tpu.dot_dimension_numbers<[0], [0], [1], [1], [0, 1, 1, 1], [], []>, transpose_lhs_hint = false} : vector<64x64xf32>, vector<64x512xf32>, vector<64x512xf32> -> vector<64x512xf32>
    %dot_general3A_276 = arith.constant dense<0.000000e+00> : vector<64x512xf32>
    %dot_general3A_277 = tpu.matmul %get3A_256, %slice3A_273, %dot_general3A_276 {dimension_numbers = #tpu.dot_dimension_numbers<[0], [0], [1], [1], [0, 1, 1, 1], [], []>, transpose_lhs_hint = false} : vector<64x64xf32>, vector<64x512xf32>, vector<64x512xf32> -> vector<64x512xf32>
    %add3A_278 = arith.addf %dot_general3A_275, %dot_general3A_277 : vector<64x512xf32>
    %add3A_279 = vector.broadcast %broadcast_in_dim3A_261 : vector<64x1xf32> to vector<64x512xf32>
    %add3A_280 = arith.addf %add3A_278, %add3A_279 : vector<64x512xf32>
    %slice3A_281 = vector.extract_strided_slice %max3A_246 {offsets = [128, 0], sizes = [64, 512], strides = [1, 1]} : vector<512x512xf32> to vector<64x512xf32>
    %slice3A_282 = vector.extract_strided_slice %dot_general3A_263 {offsets = [128, 0], sizes = [64, 512], strides = [1, 1]} : vector<512x512xf32> to vector<64x512xf32>
    %dot_general3A_283 = arith.constant dense<0.000000e+00> : vector<64x512xf32>
    %dot_general3A_284 = tpu.matmul %get3A_251, %slice3A_281, %dot_general3A_283 {dimension_numbers = #tpu.dot_dimension_numbers<[0], [0], [1], [1], [0, 1, 1, 1], [], []>, transpose_lhs_hint = false} : vector<64x64xf32>, vector<64x512xf32>, vector<64x512xf32> -> vector<64x512xf32>
    %dot_general3A_285 = arith.constant dense<0.000000e+00> : vector<64x512xf32>
    %dot_general3A_286 = tpu.matmul %get3A_256, %slice3A_282, %dot_general3A_285 {dimension_numbers = #tpu.dot_dimension_numbers<[0], [0], [1], [1], [0, 1, 1, 1], [], []>, transpose_lhs_hint = false} : vector<64x64xf32>, vector<64x512xf32>, vector<64x512xf32> -> vector<64x512xf32>
    %add3A_287 = arith.addf %dot_general3A_284, %dot_general3A_286 : vector<64x512xf32>
    %add3A_288 = vector.broadcast %broadcast_in_dim3A_261 : vector<64x1xf32> to vector<64x512xf32>
    %add3A_289 = arith.addf %add3A_287, %add3A_288 : vector<64x512xf32>
    %slice3A_290 = vector.extract_strided_slice %max3A_246 {offsets = [192, 0], sizes = [64, 512], strides = [1, 1]} : vector<512x512xf32> to vector<64x512xf32>
    %slice3A_291 = vector.extract_strided_slice %dot_general3A_263 {offsets = [192, 0], sizes = [64, 512], strides = [1, 1]} : vector<512x512xf32> to vector<64x512xf32>
    %dot_general3A_292 = arith.constant dense<0.000000e+00> : vector<64x512xf32>
    %dot_general3A_293 = tpu.matmul %get3A_251, %slice3A_290, %dot_general3A_292 {dimension_numbers = #tpu.dot_dimension_numbers<[0], [0], [1], [1], [0, 1, 1, 1], [], []>, transpose_lhs_hint = false} : vector<64x64xf32>, vector<64x512xf32>, vector<64x512xf32> -> vector<64x512xf32>
    %dot_general3A_294 = arith.constant dense<0.000000e+00> : vector<64x512xf32>
    %dot_general3A_295 = tpu.matmul %get3A_256, %slice3A_291, %dot_general3A_294 {dimension_numbers = #tpu.dot_dimension_numbers<[0], [0], [1], [1], [0, 1, 1, 1], [], []>, transpose_lhs_hint = false} : vector<64x64xf32>, vector<64x512xf32>, vector<64x512xf32> -> vector<64x512xf32>
    %add3A_296 = arith.addf %dot_general3A_293, %dot_general3A_295 : vector<64x512xf32>
    %add3A_297 = vector.broadcast %broadcast_in_dim3A_261 : vector<64x1xf32> to vector<64x512xf32>
    %add3A_298 = arith.addf %add3A_296, %add3A_297 : vector<64x512xf32>
    %slice3A_299 = vector.extract_strided_slice %max3A_246 {offsets = [256, 0], sizes = [64, 512], strides = [1, 1]} : vector<512x512xf32> to vector<64x512xf32>
    %slice3A_300 = vector.extract_strided_slice %dot_general3A_263 {offsets = [256, 0], sizes = [64, 512], strides = [1, 1]} : vector<512x512xf32> to vector<64x512xf32>
    %dot_general3A_301 = arith.constant dense<0.000000e+00> : vector<64x512xf32>
    %dot_general3A_302 = tpu.matmul %get3A_251, %slice3A_299, %dot_general3A_301 {dimension_numbers = #tpu.dot_dimension_numbers<[0], [0], [1], [1], [0, 1, 1, 1], [], []>, transpose_lhs_hint = false} : vector<64x64xf32>, vector<64x512xf32>, vector<64x512xf32> -> vector<64x512xf32>
    %dot_general3A_303 = arith.constant dense<0.000000e+00> : vector<64x512xf32>
    %dot_general3A_304 = tpu.matmul %get3A_256, %slice3A_300, %dot_general3A_303 {dimension_numbers = #tpu.dot_dimension_numbers<[0], [0], [1], [1], [0, 1, 1, 1], [], []>, transpose_lhs_hint = false} : vector<64x64xf32>, vector<64x512xf32>, vector<64x512xf32> -> vector<64x512xf32>
    %add3A_305 = arith.addf %dot_general3A_302, %dot_general3A_304 : vector<64x512xf32>
    %add3A_306 = vector.broadcast %broadcast_in_dim3A_261 : vector<64x1xf32> to vector<64x512xf32>
    %add3A_307 = arith.addf %add3A_305, %add3A_306 : vector<64x512xf32>
    %slice3A_308 = vector.extract_strided_slice %max3A_246 {offsets = [320, 0], sizes = [64, 512], strides = [1, 1]} : vector<512x512xf32> to vector<64x512xf32>
    %slice3A_309 = vector.extract_strided_slice %dot_general3A_263 {offsets = [320, 0], sizes = [64, 512], strides = [1, 1]} : vector<512x512xf32> to vector<64x512xf32>
    %dot_general3A_310 = arith.constant dense<0.000000e+00> : vector<64x512xf32>
    %dot_general3A_311 = tpu.matmul %get3A_251, %slice3A_308, %dot_general3A_310 {dimension_numbers = #tpu.dot_dimension_numbers<[0], [0], [1], [1], [0, 1, 1, 1], [], []>, transpose_lhs_hint = false} : vector<64x64xf32>, vector<64x512xf32>, vector<64x512xf32> -> vector<64x512xf32>
    %dot_general3A_312 = arith.constant dense<0.000000e+00> : vector<64x512xf32>
    %dot_general3A_313 = tpu.matmul %get3A_256, %slice3A_309, %dot_general3A_312 {dimension_numbers = #tpu.dot_dimension_numbers<[0], [0], [1], [1], [0, 1, 1, 1], [], []>, transpose_lhs_hint = false} : vector<64x64xf32>, vector<64x512xf32>, vector<64x512xf32> -> vector<64x512xf32>
    %add3A_314 = arith.addf %dot_general3A_311, %dot_general3A_313 : vector<64x512xf32>
    %add3A_315 = vector.broadcast %broadcast_in_dim3A_261 : vector<64x1xf32> to vector<64x512xf32>
    %add3A_316 = arith.addf %add3A_314, %add3A_315 : vector<64x512xf32>
    %slice3A_317 = vector.extract_strided_slice %max3A_246 {offsets = [384, 0], sizes = [64, 512], strides = [1, 1]} : vector<512x512xf32> to vector<64x512xf32>
    %slice3A_318 = vector.extract_strided_slice %dot_general3A_263 {offsets = [384, 0], sizes = [64, 512], strides = [1, 1]} : vector<512x512xf32> to vector<64x512xf32>
    %dot_general3A_319 = arith.constant dense<0.000000e+00> : vector<64x512xf32>
    %dot_general3A_320 = tpu.matmul %get3A_251, %slice3A_317, %dot_general3A_319 {dimension_numbers = #tpu.dot_dimension_numbers<[0], [0], [1], [1], [0, 1, 1, 1], [], []>, transpose_lhs_hint = false} : vector<64x64xf32>, vector<64x512xf32>, vector<64x512xf32> -> vector<64x512xf32>
    %dot_general3A_321 = arith.constant dense<0.000000e+00> : vector<64x512xf32>
    %dot_general3A_322 = tpu.matmul %get3A_256, %slice3A_318, %dot_general3A_321 {dimension_numbers = #tpu.dot_dimension_numbers<[0], [0], [1], [1], [0, 1, 1, 1], [], []>, transpose_lhs_hint = false} : vector<64x64xf32>, vector<64x512xf32>, vector<64x512xf32> -> vector<64x512xf32>
    %add3A_323 = arith.addf %dot_general3A_320, %dot_general3A_322 : vector<64x512xf32>
    %add3A_324 = vector.broadcast %broadcast_in_dim3A_261 : vector<64x1xf32> to vector<64x512xf32>
    %add3A_325 = arith.addf %add3A_323, %add3A_324 : vector<64x512xf32>
    %slice3A_326 = vector.extract_strided_slice %max3A_246 {offsets = [448, 0], sizes = [64, 512], strides = [1, 1]} : vector<512x512xf32> to vector<64x512xf32>
    %slice3A_327 = vector.extract_strided_slice %dot_general3A_263 {offsets = [448, 0], sizes = [64, 512], strides = [1, 1]} : vector<512x512xf32> to vector<64x512xf32>
    %dot_general3A_328 = arith.constant dense<0.000000e+00> : vector<64x512xf32>
    %dot_general3A_329 = tpu.matmul %get3A_251, %slice3A_326, %dot_general3A_328 {dimension_numbers = #tpu.dot_dimension_numbers<[0], [0], [1], [1], [0, 1, 1, 1], [], []>, transpose_lhs_hint = false} : vector<64x64xf32>, vector<64x512xf32>, vector<64x512xf32> -> vector<64x512xf32>
    %dot_general3A_330 = arith.constant dense<0.000000e+00> : vector<64x512xf32>
    %dot_general3A_331 = tpu.matmul %get3A_256, %slice3A_327, %dot_general3A_330 {dimension_numbers = #tpu.dot_dimension_numbers<[0], [0], [1], [1], [0, 1, 1, 1], [], []>, transpose_lhs_hint = false} : vector<64x64xf32>, vector<64x512xf32>, vector<64x512xf32> -> vector<64x512xf32>
    %add3A_332 = arith.addf %dot_general3A_329, %dot_general3A_331 : vector<64x512xf32>
    %add3A_333 = vector.broadcast %broadcast_in_dim3A_261 : vector<64x1xf32> to vector<64x512xf32>
    %add3A_334 = arith.addf %add3A_332, %add3A_333 : vector<64x512xf32>
    %concatenate3A_335 = tpu.concatenate %add3A_271, %add3A_280, %add3A_289, %add3A_298, %add3A_307, %add3A_316, %add3A_325, %add3A_334 in 0 : vector<64x512xf32>, vector<64x512xf32>, vector<64x512xf32>, vector<64x512xf32>, vector<64x512xf32>, vector<64x512xf32>, vector<64x512xf32>, vector<64x512xf32> -> vector<512x512xf32>
    %max3A_336 = arith.constant 0.000000e+00 : f32
    %max3A_337 = vector.broadcast %max3A_336 : f32 to vector<512x512xf32>
    %max3A_338 = arith.maximumf %concatenate3A_335, %max3A_337 : vector<512x512xf32>
    %get3A_339 = arith.constant 2 : index
    %get3A_340 = arith.constant 0 : index
    %get3A_341 = arith.constant 0 : index
    %get3A_342 = vector.load %arg3[%get3A_339, %get3A_340, %get3A_341] : memref<6x64x64xf32, #tpu.memory_space<vmem>>, vector<1x64x64xf32>
    %get3A_343 = vector.shape_cast %get3A_342 : vector<1x64x64xf32> to vector<64x64xf32>
    %get3A_344 = arith.constant 2 : index
    %get3A_345 = arith.constant 0 : index
    %get3A_346 = arith.constant 0 : index
    %get3A_347 = vector.load %arg4[%get3A_344, %get3A_345, %get3A_346] : memref<6x64x64xf32, #tpu.memory_space<vmem>>, vector<1x64x64xf32>
    %get3A_348 = vector.shape_cast %get3A_347 : vector<1x64x64xf32> to vector<64x64xf32>
    %get3A_349 = arith.constant 2 : index
    %get3A_350 = arith.constant 0 : index
    %get3A_351 = vector.load %arg5[%get3A_349, %get3A_350] : memref<6x64xf32, #tpu.memory_space<vmem>>, vector<1x64xf32>
    %get3A_352 = vector.shape_cast %get3A_351 : vector<1x64xf32> to vector<64xf32>
    %broadcast_in_dim3A_353 = vector.shape_cast %get3A_352 : vector<64xf32> to vector<64x1xf32>
    %dot_general3A_354 = arith.constant dense<0.000000e+00> : vector<512x512xf32>
    %dot_general3A_355 = tpu.matmul %max3A_338, %mul3A_14, %dot_general3A_354 {dimension_numbers = #tpu.dot_dimension_numbers<[1], [0], [0], [1], [0, 0, 1, 1], [], []>, precision = #tpu.contract_precision<fp32>, transpose_lhs_hint = false} : vector<512x512xf32>, vector<512x512xf32>, vector<512x512xf32> -> vector<512x512xf32>
    %slice3A_356 = vector.extract_strided_slice %max3A_338 {offsets = [0, 0], sizes = [64, 512], strides = [1, 1]} : vector<512x512xf32> to vector<64x512xf32>
    %slice3A_357 = vector.extract_strided_slice %dot_general3A_355 {offsets = [0, 0], sizes = [64, 512], strides = [1, 1]} : vector<512x512xf32> to vector<64x512xf32>
    %dot_general3A_358 = arith.constant dense<0.000000e+00> : vector<64x512xf32>
    %dot_general3A_359 = tpu.matmul %get3A_343, %slice3A_356, %dot_general3A_358 {dimension_numbers = #tpu.dot_dimension_numbers<[0], [0], [1], [1], [0, 1, 1, 1], [], []>, transpose_lhs_hint = false} : vector<64x64xf32>, vector<64x512xf32>, vector<64x512xf32> -> vector<64x512xf32>
    %dot_general3A_360 = arith.constant dense<0.000000e+00> : vector<64x512xf32>
    %dot_general3A_361 = tpu.matmul %get3A_348, %slice3A_357, %dot_general3A_360 {dimension_numbers = #tpu.dot_dimension_numbers<[0], [0], [1], [1], [0, 1, 1, 1], [], []>, transpose_lhs_hint = false} : vector<64x64xf32>, vector<64x512xf32>, vector<64x512xf32> -> vector<64x512xf32>
    %add3A_362 = arith.addf %dot_general3A_359, %dot_general3A_361 : vector<64x512xf32>
    %add3A_363 = vector.broadcast %broadcast_in_dim3A_353 : vector<64x1xf32> to vector<64x512xf32>
    %add3A_364 = arith.addf %add3A_362, %add3A_363 : vector<64x512xf32>
    %slice3A_365 = vector.extract_strided_slice %max3A_338 {offsets = [64, 0], sizes = [64, 512], strides = [1, 1]} : vector<512x512xf32> to vector<64x512xf32>
    %slice3A_366 = vector.extract_strided_slice %dot_general3A_355 {offsets = [64, 0], sizes = [64, 512], strides = [1, 1]} : vector<512x512xf32> to vector<64x512xf32>
    %dot_general3A_367 = arith.constant dense<0.000000e+00> : vector<64x512xf32>
    %dot_general3A_368 = tpu.matmul %get3A_343, %slice3A_365, %dot_general3A_367 {dimension_numbers = #tpu.dot_dimension_numbers<[0], [0], [1], [1], [0, 1, 1, 1], [], []>, transpose_lhs_hint = false} : vector<64x64xf32>, vector<64x512xf32>, vector<64x512xf32> -> vector<64x512xf32>
    %dot_general3A_369 = arith.constant dense<0.000000e+00> : vector<64x512xf32>
    %dot_general3A_370 = tpu.matmul %get3A_348, %slice3A_366, %dot_general3A_369 {dimension_numbers = #tpu.dot_dimension_numbers<[0], [0], [1], [1], [0, 1, 1, 1], [], []>, transpose_lhs_hint = false} : vector<64x64xf32>, vector<64x512xf32>, vector<64x512xf32> -> vector<64x512xf32>
    %add3A_371 = arith.addf %dot_general3A_368, %dot_general3A_370 : vector<64x512xf32>
    %add3A_372 = vector.broadcast %broadcast_in_dim3A_353 : vector<64x1xf32> to vector<64x512xf32>
    %add3A_373 = arith.addf %add3A_371, %add3A_372 : vector<64x512xf32>
    %slice3A_374 = vector.extract_strided_slice %max3A_338 {offsets = [128, 0], sizes = [64, 512], strides = [1, 1]} : vector<512x512xf32> to vector<64x512xf32>
    %slice3A_375 = vector.extract_strided_slice %dot_general3A_355 {offsets = [128, 0], sizes = [64, 512], strides = [1, 1]} : vector<512x512xf32> to vector<64x512xf32>
    %dot_general3A_376 = arith.constant dense<0.000000e+00> : vector<64x512xf32>
    %dot_general3A_377 = tpu.matmul %get3A_343, %slice3A_374, %dot_general3A_376 {dimension_numbers = #tpu.dot_dimension_numbers<[0], [0], [1], [1], [0, 1, 1, 1], [], []>, transpose_lhs_hint = false} : vector<64x64xf32>, vector<64x512xf32>, vector<64x512xf32> -> vector<64x512xf32>
    %dot_general3A_378 = arith.constant dense<0.000000e+00> : vector<64x512xf32>
    %dot_general3A_379 = tpu.matmul %get3A_348, %slice3A_375, %dot_general3A_378 {dimension_numbers = #tpu.dot_dimension_numbers<[0], [0], [1], [1], [0, 1, 1, 1], [], []>, transpose_lhs_hint = false} : vector<64x64xf32>, vector<64x512xf32>, vector<64x512xf32> -> vector<64x512xf32>
    %add3A_380 = arith.addf %dot_general3A_377, %dot_general3A_379 : vector<64x512xf32>
    %add3A_381 = vector.broadcast %broadcast_in_dim3A_353 : vector<64x1xf32> to vector<64x512xf32>
    %add3A_382 = arith.addf %add3A_380, %add3A_381 : vector<64x512xf32>
    %slice3A_383 = vector.extract_strided_slice %max3A_338 {offsets = [192, 0], sizes = [64, 512], strides = [1, 1]} : vector<512x512xf32> to vector<64x512xf32>
    %slice3A_384 = vector.extract_strided_slice %dot_general3A_355 {offsets = [192, 0], sizes = [64, 512], strides = [1, 1]} : vector<512x512xf32> to vector<64x512xf32>
    %dot_general3A_385 = arith.constant dense<0.000000e+00> : vector<64x512xf32>
    %dot_general3A_386 = tpu.matmul %get3A_343, %slice3A_383, %dot_general3A_385 {dimension_numbers = #tpu.dot_dimension_numbers<[0], [0], [1], [1], [0, 1, 1, 1], [], []>, transpose_lhs_hint = false} : vector<64x64xf32>, vector<64x512xf32>, vector<64x512xf32> -> vector<64x512xf32>
    %dot_general3A_387 = arith.constant dense<0.000000e+00> : vector<64x512xf32>
    %dot_general3A_388 = tpu.matmul %get3A_348, %slice3A_384, %dot_general3A_387 {dimension_numbers = #tpu.dot_dimension_numbers<[0], [0], [1], [1], [0, 1, 1, 1], [], []>, transpose_lhs_hint = false} : vector<64x64xf32>, vector<64x512xf32>, vector<64x512xf32> -> vector<64x512xf32>
    %add3A_389 = arith.addf %dot_general3A_386, %dot_general3A_388 : vector<64x512xf32>
    %add3A_390 = vector.broadcast %broadcast_in_dim3A_353 : vector<64x1xf32> to vector<64x512xf32>
    %add3A_391 = arith.addf %add3A_389, %add3A_390 : vector<64x512xf32>
    %slice3A_392 = vector.extract_strided_slice %max3A_338 {offsets = [256, 0], sizes = [64, 512], strides = [1, 1]} : vector<512x512xf32> to vector<64x512xf32>
    %slice3A_393 = vector.extract_strided_slice %dot_general3A_355 {offsets = [256, 0], sizes = [64, 512], strides = [1, 1]} : vector<512x512xf32> to vector<64x512xf32>
    %dot_general3A_394 = arith.constant dense<0.000000e+00> : vector<64x512xf32>
    %dot_general3A_395 = tpu.matmul %get3A_343, %slice3A_392, %dot_general3A_394 {dimension_numbers = #tpu.dot_dimension_numbers<[0], [0], [1], [1], [0, 1, 1, 1], [], []>, transpose_lhs_hint = false} : vector<64x64xf32>, vector<64x512xf32>, vector<64x512xf32> -> vector<64x512xf32>
    %dot_general3A_396 = arith.constant dense<0.000000e+00> : vector<64x512xf32>
    %dot_general3A_397 = tpu.matmul %get3A_348, %slice3A_393, %dot_general3A_396 {dimension_numbers = #tpu.dot_dimension_numbers<[0], [0], [1], [1], [0, 1, 1, 1], [], []>, transpose_lhs_hint = false} : vector<64x64xf32>, vector<64x512xf32>, vector<64x512xf32> -> vector<64x512xf32>
    %add3A_398 = arith.addf %dot_general3A_395, %dot_general3A_397 : vector<64x512xf32>
    %add3A_399 = vector.broadcast %broadcast_in_dim3A_353 : vector<64x1xf32> to vector<64x512xf32>
    %add3A_400 = arith.addf %add3A_398, %add3A_399 : vector<64x512xf32>
    %slice3A_401 = vector.extract_strided_slice %max3A_338 {offsets = [320, 0], sizes = [64, 512], strides = [1, 1]} : vector<512x512xf32> to vector<64x512xf32>
    %slice3A_402 = vector.extract_strided_slice %dot_general3A_355 {offsets = [320, 0], sizes = [64, 512], strides = [1, 1]} : vector<512x512xf32> to vector<64x512xf32>
    %dot_general3A_403 = arith.constant dense<0.000000e+00> : vector<64x512xf32>
    %dot_general3A_404 = tpu.matmul %get3A_343, %slice3A_401, %dot_general3A_403 {dimension_numbers = #tpu.dot_dimension_numbers<[0], [0], [1], [1], [0, 1, 1, 1], [], []>, transpose_lhs_hint = false} : vector<64x64xf32>, vector<64x512xf32>, vector<64x512xf32> -> vector<64x512xf32>
    %dot_general3A_405 = arith.constant dense<0.000000e+00> : vector<64x512xf32>
    %dot_general3A_406 = tpu.matmul %get3A_348, %slice3A_402, %dot_general3A_405 {dimension_numbers = #tpu.dot_dimension_numbers<[0], [0], [1], [1], [0, 1, 1, 1], [], []>, transpose_lhs_hint = false} : vector<64x64xf32>, vector<64x512xf32>, vector<64x512xf32> -> vector<64x512xf32>
    %add3A_407 = arith.addf %dot_general3A_404, %dot_general3A_406 : vector<64x512xf32>
    %add3A_408 = vector.broadcast %broadcast_in_dim3A_353 : vector<64x1xf32> to vector<64x512xf32>
    %add3A_409 = arith.addf %add3A_407, %add3A_408 : vector<64x512xf32>
    %slice3A_410 = vector.extract_strided_slice %max3A_338 {offsets = [384, 0], sizes = [64, 512], strides = [1, 1]} : vector<512x512xf32> to vector<64x512xf32>
    %slice3A_411 = vector.extract_strided_slice %dot_general3A_355 {offsets = [384, 0], sizes = [64, 512], strides = [1, 1]} : vector<512x512xf32> to vector<64x512xf32>
    %dot_general3A_412 = arith.constant dense<0.000000e+00> : vector<64x512xf32>
    %dot_general3A_413 = tpu.matmul %get3A_343, %slice3A_410, %dot_general3A_412 {dimension_numbers = #tpu.dot_dimension_numbers<[0], [0], [1], [1], [0, 1, 1, 1], [], []>, transpose_lhs_hint = false} : vector<64x64xf32>, vector<64x512xf32>, vector<64x512xf32> -> vector<64x512xf32>
    %dot_general3A_414 = arith.constant dense<0.000000e+00> : vector<64x512xf32>
    %dot_general3A_415 = tpu.matmul %get3A_348, %slice3A_411, %dot_general3A_414 {dimension_numbers = #tpu.dot_dimension_numbers<[0], [0], [1], [1], [0, 1, 1, 1], [], []>, transpose_lhs_hint = false} : vector<64x64xf32>, vector<64x512xf32>, vector<64x512xf32> -> vector<64x512xf32>
    %add3A_416 = arith.addf %dot_general3A_413, %dot_general3A_415 : vector<64x512xf32>
    %add3A_417 = vector.broadcast %broadcast_in_dim3A_353 : vector<64x1xf32> to vector<64x512xf32>
    %add3A_418 = arith.addf %add3A_416, %add3A_417 : vector<64x512xf32>
    %slice3A_419 = vector.extract_strided_slice %max3A_338 {offsets = [448, 0], sizes = [64, 512], strides = [1, 1]} : vector<512x512xf32> to vector<64x512xf32>
    %slice3A_420 = vector.extract_strided_slice %dot_general3A_355 {offsets = [448, 0], sizes = [64, 512], strides = [1, 1]} : vector<512x512xf32> to vector<64x512xf32>
    %dot_general3A_421 = arith.constant dense<0.000000e+00> : vector<64x512xf32>
    %dot_general3A_422 = tpu.matmul %get3A_343, %slice3A_419, %dot_general3A_421 {dimension_numbers = #tpu.dot_dimension_numbers<[0], [0], [1], [1], [0, 1, 1, 1], [], []>, transpose_lhs_hint = false} : vector<64x64xf32>, vector<64x512xf32>, vector<64x512xf32> -> vector<64x512xf32>
    %dot_general3A_423 = arith.constant dense<0.000000e+00> : vector<64x512xf32>
    %dot_general3A_424 = tpu.matmul %get3A_348, %slice3A_420, %dot_general3A_423 {dimension_numbers = #tpu.dot_dimension_numbers<[0], [0], [1], [1], [0, 1, 1, 1], [], []>, transpose_lhs_hint = false} : vector<64x64xf32>, vector<64x512xf32>, vector<64x512xf32> -> vector<64x512xf32>
    %add3A_425 = arith.addf %dot_general3A_422, %dot_general3A_424 : vector<64x512xf32>
    %add3A_426 = vector.broadcast %broadcast_in_dim3A_353 : vector<64x1xf32> to vector<64x512xf32>
    %add3A_427 = arith.addf %add3A_425, %add3A_426 : vector<64x512xf32>
    %concatenate3A_428 = tpu.concatenate %add3A_364, %add3A_373, %add3A_382, %add3A_391, %add3A_400, %add3A_409, %add3A_418, %add3A_427 in 0 : vector<64x512xf32>, vector<64x512xf32>, vector<64x512xf32>, vector<64x512xf32>, vector<64x512xf32>, vector<64x512xf32>, vector<64x512xf32>, vector<64x512xf32> -> vector<512x512xf32>
    %max3A_429 = arith.constant 0.000000e+00 : f32
    %max3A_430 = vector.broadcast %max3A_429 : f32 to vector<512x512xf32>
    %max3A_431 = arith.maximumf %concatenate3A_428, %max3A_430 : vector<512x512xf32>
    %get3A_432 = arith.constant 3 : index
    %get3A_433 = arith.constant 0 : index
    %get3A_434 = arith.constant 0 : index
    %get3A_435 = vector.load %arg3[%get3A_432, %get3A_433, %get3A_434] : memref<6x64x64xf32, #tpu.memory_space<vmem>>, vector<1x64x64xf32>
    %get3A_436 = vector.shape_cast %get3A_435 : vector<1x64x64xf32> to vector<64x64xf32>
    %get3A_437 = arith.constant 3 : index
    %get3A_438 = arith.constant 0 : index
    %get3A_439 = arith.constant 0 : index
    %get3A_440 = vector.load %arg4[%get3A_437, %get3A_438, %get3A_439] : memref<6x64x64xf32, #tpu.memory_space<vmem>>, vector<1x64x64xf32>
    %get3A_441 = vector.shape_cast %get3A_440 : vector<1x64x64xf32> to vector<64x64xf32>
    %get3A_442 = arith.constant 3 : index
    %get3A_443 = arith.constant 0 : index
    %get3A_444 = vector.load %arg5[%get3A_442, %get3A_443] : memref<6x64xf32, #tpu.memory_space<vmem>>, vector<1x64xf32>
    %get3A_445 = vector.shape_cast %get3A_444 : vector<1x64xf32> to vector<64xf32>
    %broadcast_in_dim3A_446 = vector.shape_cast %get3A_445 : vector<64xf32> to vector<64x1xf32>
    %dot_general3A_447 = arith.constant dense<0.000000e+00> : vector<512x512xf32>
    %dot_general3A_448 = tpu.matmul %max3A_431, %mul3A_14, %dot_general3A_447 {dimension_numbers = #tpu.dot_dimension_numbers<[1], [0], [0], [1], [0, 0, 1, 1], [], []>, precision = #tpu.contract_precision<fp32>, transpose_lhs_hint = false} : vector<512x512xf32>, vector<512x512xf32>, vector<512x512xf32> -> vector<512x512xf32>
    %slice3A_449 = vector.extract_strided_slice %max3A_431 {offsets = [0, 0], sizes = [64, 512], strides = [1, 1]} : vector<512x512xf32> to vector<64x512xf32>
    %slice3A_450 = vector.extract_strided_slice %dot_general3A_448 {offsets = [0, 0], sizes = [64, 512], strides = [1, 1]} : vector<512x512xf32> to vector<64x512xf32>
    %dot_general3A_451 = arith.constant dense<0.000000e+00> : vector<64x512xf32>
    %dot_general3A_452 = tpu.matmul %get3A_436, %slice3A_449, %dot_general3A_451 {dimension_numbers = #tpu.dot_dimension_numbers<[0], [0], [1], [1], [0, 1, 1, 1], [], []>, transpose_lhs_hint = false} : vector<64x64xf32>, vector<64x512xf32>, vector<64x512xf32> -> vector<64x512xf32>
    %dot_general3A_453 = arith.constant dense<0.000000e+00> : vector<64x512xf32>
    %dot_general3A_454 = tpu.matmul %get3A_441, %slice3A_450, %dot_general3A_453 {dimension_numbers = #tpu.dot_dimension_numbers<[0], [0], [1], [1], [0, 1, 1, 1], [], []>, transpose_lhs_hint = false} : vector<64x64xf32>, vector<64x512xf32>, vector<64x512xf32> -> vector<64x512xf32>
    %add3A_455 = arith.addf %dot_general3A_452, %dot_general3A_454 : vector<64x512xf32>
    %add3A_456 = vector.broadcast %broadcast_in_dim3A_446 : vector<64x1xf32> to vector<64x512xf32>
    %add3A_457 = arith.addf %add3A_455, %add3A_456 : vector<64x512xf32>
    %slice3A_458 = vector.extract_strided_slice %max3A_431 {offsets = [64, 0], sizes = [64, 512], strides = [1, 1]} : vector<512x512xf32> to vector<64x512xf32>
    %slice3A_459 = vector.extract_strided_slice %dot_general3A_448 {offsets = [64, 0], sizes = [64, 512], strides = [1, 1]} : vector<512x512xf32> to vector<64x512xf32>
    %dot_general3A_460 = arith.constant dense<0.000000e+00> : vector<64x512xf32>
    %dot_general3A_461 = tpu.matmul %get3A_436, %slice3A_458, %dot_general3A_460 {dimension_numbers = #tpu.dot_dimension_numbers<[0], [0], [1], [1], [0, 1, 1, 1], [], []>, transpose_lhs_hint = false} : vector<64x64xf32>, vector<64x512xf32>, vector<64x512xf32> -> vector<64x512xf32>
    %dot_general3A_462 = arith.constant dense<0.000000e+00> : vector<64x512xf32>
    %dot_general3A_463 = tpu.matmul %get3A_441, %slice3A_459, %dot_general3A_462 {dimension_numbers = #tpu.dot_dimension_numbers<[0], [0], [1], [1], [0, 1, 1, 1], [], []>, transpose_lhs_hint = false} : vector<64x64xf32>, vector<64x512xf32>, vector<64x512xf32> -> vector<64x512xf32>
    %add3A_464 = arith.addf %dot_general3A_461, %dot_general3A_463 : vector<64x512xf32>
    %add3A_465 = vector.broadcast %broadcast_in_dim3A_446 : vector<64x1xf32> to vector<64x512xf32>
    %add3A_466 = arith.addf %add3A_464, %add3A_465 : vector<64x512xf32>
    %slice3A_467 = vector.extract_strided_slice %max3A_431 {offsets = [128, 0], sizes = [64, 512], strides = [1, 1]} : vector<512x512xf32> to vector<64x512xf32>
    %slice3A_468 = vector.extract_strided_slice %dot_general3A_448 {offsets = [128, 0], sizes = [64, 512], strides = [1, 1]} : vector<512x512xf32> to vector<64x512xf32>
    %dot_general3A_469 = arith.constant dense<0.000000e+00> : vector<64x512xf32>
    %dot_general3A_470 = tpu.matmul %get3A_436, %slice3A_467, %dot_general3A_469 {dimension_numbers = #tpu.dot_dimension_numbers<[0], [0], [1], [1], [0, 1, 1, 1], [], []>, transpose_lhs_hint = false} : vector<64x64xf32>, vector<64x512xf32>, vector<64x512xf32> -> vector<64x512xf32>
    %dot_general3A_471 = arith.constant dense<0.000000e+00> : vector<64x512xf32>
    %dot_general3A_472 = tpu.matmul %get3A_441, %slice3A_468, %dot_general3A_471 {dimension_numbers = #tpu.dot_dimension_numbers<[0], [0], [1], [1], [0, 1, 1, 1], [], []>, transpose_lhs_hint = false} : vector<64x64xf32>, vector<64x512xf32>, vector<64x512xf32> -> vector<64x512xf32>
    %add3A_473 = arith.addf %dot_general3A_470, %dot_general3A_472 : vector<64x512xf32>
    %add3A_474 = vector.broadcast %broadcast_in_dim3A_446 : vector<64x1xf32> to vector<64x512xf32>
    %add3A_475 = arith.addf %add3A_473, %add3A_474 : vector<64x512xf32>
    %slice3A_476 = vector.extract_strided_slice %max3A_431 {offsets = [192, 0], sizes = [64, 512], strides = [1, 1]} : vector<512x512xf32> to vector<64x512xf32>
    %slice3A_477 = vector.extract_strided_slice %dot_general3A_448 {offsets = [192, 0], sizes = [64, 512], strides = [1, 1]} : vector<512x512xf32> to vector<64x512xf32>
    %dot_general3A_478 = arith.constant dense<0.000000e+00> : vector<64x512xf32>
    %dot_general3A_479 = tpu.matmul %get3A_436, %slice3A_476, %dot_general3A_478 {dimension_numbers = #tpu.dot_dimension_numbers<[0], [0], [1], [1], [0, 1, 1, 1], [], []>, transpose_lhs_hint = false} : vector<64x64xf32>, vector<64x512xf32>, vector<64x512xf32> -> vector<64x512xf32>
    %dot_general3A_480 = arith.constant dense<0.000000e+00> : vector<64x512xf32>
    %dot_general3A_481 = tpu.matmul %get3A_441, %slice3A_477, %dot_general3A_480 {dimension_numbers = #tpu.dot_dimension_numbers<[0], [0], [1], [1], [0, 1, 1, 1], [], []>, transpose_lhs_hint = false} : vector<64x64xf32>, vector<64x512xf32>, vector<64x512xf32> -> vector<64x512xf32>
    %add3A_482 = arith.addf %dot_general3A_479, %dot_general3A_481 : vector<64x512xf32>
    %add3A_483 = vector.broadcast %broadcast_in_dim3A_446 : vector<64x1xf32> to vector<64x512xf32>
    %add3A_484 = arith.addf %add3A_482, %add3A_483 : vector<64x512xf32>
    %slice3A_485 = vector.extract_strided_slice %max3A_431 {offsets = [256, 0], sizes = [64, 512], strides = [1, 1]} : vector<512x512xf32> to vector<64x512xf32>
    %slice3A_486 = vector.extract_strided_slice %dot_general3A_448 {offsets = [256, 0], sizes = [64, 512], strides = [1, 1]} : vector<512x512xf32> to vector<64x512xf32>
    %dot_general3A_487 = arith.constant dense<0.000000e+00> : vector<64x512xf32>
    %dot_general3A_488 = tpu.matmul %get3A_436, %slice3A_485, %dot_general3A_487 {dimension_numbers = #tpu.dot_dimension_numbers<[0], [0], [1], [1], [0, 1, 1, 1], [], []>, transpose_lhs_hint = false} : vector<64x64xf32>, vector<64x512xf32>, vector<64x512xf32> -> vector<64x512xf32>
    %dot_general3A_489 = arith.constant dense<0.000000e+00> : vector<64x512xf32>
    %dot_general3A_490 = tpu.matmul %get3A_441, %slice3A_486, %dot_general3A_489 {dimension_numbers = #tpu.dot_dimension_numbers<[0], [0], [1], [1], [0, 1, 1, 1], [], []>, transpose_lhs_hint = false} : vector<64x64xf32>, vector<64x512xf32>, vector<64x512xf32> -> vector<64x512xf32>
    %add3A_491 = arith.addf %dot_general3A_488, %dot_general3A_490 : vector<64x512xf32>
    %add3A_492 = vector.broadcast %broadcast_in_dim3A_446 : vector<64x1xf32> to vector<64x512xf32>
    %add3A_493 = arith.addf %add3A_491, %add3A_492 : vector<64x512xf32>
    %slice3A_494 = vector.extract_strided_slice %max3A_431 {offsets = [320, 0], sizes = [64, 512], strides = [1, 1]} : vector<512x512xf32> to vector<64x512xf32>
    %slice3A_495 = vector.extract_strided_slice %dot_general3A_448 {offsets = [320, 0], sizes = [64, 512], strides = [1, 1]} : vector<512x512xf32> to vector<64x512xf32>
    %dot_general3A_496 = arith.constant dense<0.000000e+00> : vector<64x512xf32>
    %dot_general3A_497 = tpu.matmul %get3A_436, %slice3A_494, %dot_general3A_496 {dimension_numbers = #tpu.dot_dimension_numbers<[0], [0], [1], [1], [0, 1, 1, 1], [], []>, transpose_lhs_hint = false} : vector<64x64xf32>, vector<64x512xf32>, vector<64x512xf32> -> vector<64x512xf32>
    %dot_general3A_498 = arith.constant dense<0.000000e+00> : vector<64x512xf32>
    %dot_general3A_499 = tpu.matmul %get3A_441, %slice3A_495, %dot_general3A_498 {dimension_numbers = #tpu.dot_dimension_numbers<[0], [0], [1], [1], [0, 1, 1, 1], [], []>, transpose_lhs_hint = false} : vector<64x64xf32>, vector<64x512xf32>, vector<64x512xf32> -> vector<64x512xf32>
    %add3A_500 = arith.addf %dot_general3A_497, %dot_general3A_499 : vector<64x512xf32>
    %add3A_501 = vector.broadcast %broadcast_in_dim3A_446 : vector<64x1xf32> to vector<64x512xf32>
    %add3A_502 = arith.addf %add3A_500, %add3A_501 : vector<64x512xf32>
    %slice3A_503 = vector.extract_strided_slice %max3A_431 {offsets = [384, 0], sizes = [64, 512], strides = [1, 1]} : vector<512x512xf32> to vector<64x512xf32>
    %slice3A_504 = vector.extract_strided_slice %dot_general3A_448 {offsets = [384, 0], sizes = [64, 512], strides = [1, 1]} : vector<512x512xf32> to vector<64x512xf32>
    %dot_general3A_505 = arith.constant dense<0.000000e+00> : vector<64x512xf32>
    %dot_general3A_506 = tpu.matmul %get3A_436, %slice3A_503, %dot_general3A_505 {dimension_numbers = #tpu.dot_dimension_numbers<[0], [0], [1], [1], [0, 1, 1, 1], [], []>, transpose_lhs_hint = false} : vector<64x64xf32>, vector<64x512xf32>, vector<64x512xf32> -> vector<64x512xf32>
    %dot_general3A_507 = arith.constant dense<0.000000e+00> : vector<64x512xf32>
    %dot_general3A_508 = tpu.matmul %get3A_441, %slice3A_504, %dot_general3A_507 {dimension_numbers = #tpu.dot_dimension_numbers<[0], [0], [1], [1], [0, 1, 1, 1], [], []>, transpose_lhs_hint = false} : vector<64x64xf32>, vector<64x512xf32>, vector<64x512xf32> -> vector<64x512xf32>
    %add3A_509 = arith.addf %dot_general3A_506, %dot_general3A_508 : vector<64x512xf32>
    %add3A_510 = vector.broadcast %broadcast_in_dim3A_446 : vector<64x1xf32> to vector<64x512xf32>
    %add3A_511 = arith.addf %add3A_509, %add3A_510 : vector<64x512xf32>
    %slice3A_512 = vector.extract_strided_slice %max3A_431 {offsets = [448, 0], sizes = [64, 512], strides = [1, 1]} : vector<512x512xf32> to vector<64x512xf32>
    %slice3A_513 = vector.extract_strided_slice %dot_general3A_448 {offsets = [448, 0], sizes = [64, 512], strides = [1, 1]} : vector<512x512xf32> to vector<64x512xf32>
    %dot_general3A_514 = arith.constant dense<0.000000e+00> : vector<64x512xf32>
    %dot_general3A_515 = tpu.matmul %get3A_436, %slice3A_512, %dot_general3A_514 {dimension_numbers = #tpu.dot_dimension_numbers<[0], [0], [1], [1], [0, 1, 1, 1], [], []>, transpose_lhs_hint = false} : vector<64x64xf32>, vector<64x512xf32>, vector<64x512xf32> -> vector<64x512xf32>
    %dot_general3A_516 = arith.constant dense<0.000000e+00> : vector<64x512xf32>
    %dot_general3A_517 = tpu.matmul %get3A_441, %slice3A_513, %dot_general3A_516 {dimension_numbers = #tpu.dot_dimension_numbers<[0], [0], [1], [1], [0, 1, 1, 1], [], []>, transpose_lhs_hint = false} : vector<64x64xf32>, vector<64x512xf32>, vector<64x512xf32> -> vector<64x512xf32>
    %add3A_518 = arith.addf %dot_general3A_515, %dot_general3A_517 : vector<64x512xf32>
    %add3A_519 = vector.broadcast %broadcast_in_dim3A_446 : vector<64x1xf32> to vector<64x512xf32>
    %add3A_520 = arith.addf %add3A_518, %add3A_519 : vector<64x512xf32>
    %concatenate3A_521 = tpu.concatenate %add3A_457, %add3A_466, %add3A_475, %add3A_484, %add3A_493, %add3A_502, %add3A_511, %add3A_520 in 0 : vector<64x512xf32>, vector<64x512xf32>, vector<64x512xf32>, vector<64x512xf32>, vector<64x512xf32>, vector<64x512xf32>, vector<64x512xf32>, vector<64x512xf32> -> vector<512x512xf32>
    %max3A_522 = arith.constant 0.000000e+00 : f32
    %max3A_523 = vector.broadcast %max3A_522 : f32 to vector<512x512xf32>
    %max3A_524 = arith.maximumf %concatenate3A_521, %max3A_523 : vector<512x512xf32>
    %get3A_525 = arith.constant 4 : index
    %get3A_526 = arith.constant 0 : index
    %get3A_527 = arith.constant 0 : index
    %get3A_528 = vector.load %arg3[%get3A_525, %get3A_526, %get3A_527] : memref<6x64x64xf32, #tpu.memory_space<vmem>>, vector<1x64x64xf32>
    %get3A_529 = vector.shape_cast %get3A_528 : vector<1x64x64xf32> to vector<64x64xf32>
    %get3A_530 = arith.constant 4 : index
    %get3A_531 = arith.constant 0 : index
    %get3A_532 = arith.constant 0 : index
    %get3A_533 = vector.load %arg4[%get3A_530, %get3A_531, %get3A_532] : memref<6x64x64xf32, #tpu.memory_space<vmem>>, vector<1x64x64xf32>
    %get3A_534 = vector.shape_cast %get3A_533 : vector<1x64x64xf32> to vector<64x64xf32>
    %get3A_535 = arith.constant 4 : index
    %get3A_536 = arith.constant 0 : index
    %get3A_537 = vector.load %arg5[%get3A_535, %get3A_536] : memref<6x64xf32, #tpu.memory_space<vmem>>, vector<1x64xf32>
    %get3A_538 = vector.shape_cast %get3A_537 : vector<1x64xf32> to vector<64xf32>
    %broadcast_in_dim3A_539 = vector.shape_cast %get3A_538 : vector<64xf32> to vector<64x1xf32>
    %dot_general3A_540 = arith.constant dense<0.000000e+00> : vector<512x512xf32>
    %dot_general3A_541 = tpu.matmul %max3A_524, %mul3A_14, %dot_general3A_540 {dimension_numbers = #tpu.dot_dimension_numbers<[1], [0], [0], [1], [0, 0, 1, 1], [], []>, precision = #tpu.contract_precision<fp32>, transpose_lhs_hint = false} : vector<512x512xf32>, vector<512x512xf32>, vector<512x512xf32> -> vector<512x512xf32>
    %slice3A_542 = vector.extract_strided_slice %max3A_524 {offsets = [0, 0], sizes = [64, 512], strides = [1, 1]} : vector<512x512xf32> to vector<64x512xf32>
    %slice3A_543 = vector.extract_strided_slice %dot_general3A_541 {offsets = [0, 0], sizes = [64, 512], strides = [1, 1]} : vector<512x512xf32> to vector<64x512xf32>
    %dot_general3A_544 = arith.constant dense<0.000000e+00> : vector<64x512xf32>
    %dot_general3A_545 = tpu.matmul %get3A_529, %slice3A_542, %dot_general3A_544 {dimension_numbers = #tpu.dot_dimension_numbers<[0], [0], [1], [1], [0, 1, 1, 1], [], []>, transpose_lhs_hint = false} : vector<64x64xf32>, vector<64x512xf32>, vector<64x512xf32> -> vector<64x512xf32>
    %dot_general3A_546 = arith.constant dense<0.000000e+00> : vector<64x512xf32>
    %dot_general3A_547 = tpu.matmul %get3A_534, %slice3A_543, %dot_general3A_546 {dimension_numbers = #tpu.dot_dimension_numbers<[0], [0], [1], [1], [0, 1, 1, 1], [], []>, transpose_lhs_hint = false} : vector<64x64xf32>, vector<64x512xf32>, vector<64x512xf32> -> vector<64x512xf32>
    %add3A_548 = arith.addf %dot_general3A_545, %dot_general3A_547 : vector<64x512xf32>
    %add3A_549 = vector.broadcast %broadcast_in_dim3A_539 : vector<64x1xf32> to vector<64x512xf32>
    %add3A_550 = arith.addf %add3A_548, %add3A_549 : vector<64x512xf32>
    %slice3A_551 = vector.extract_strided_slice %max3A_524 {offsets = [64, 0], sizes = [64, 512], strides = [1, 1]} : vector<512x512xf32> to vector<64x512xf32>
    %slice3A_552 = vector.extract_strided_slice %dot_general3A_541 {offsets = [64, 0], sizes = [64, 512], strides = [1, 1]} : vector<512x512xf32> to vector<64x512xf32>
    %dot_general3A_553 = arith.constant dense<0.000000e+00> : vector<64x512xf32>
    %dot_general3A_554 = tpu.matmul %get3A_529, %slice3A_551, %dot_general3A_553 {dimension_numbers = #tpu.dot_dimension_numbers<[0], [0], [1], [1], [0, 1, 1, 1], [], []>, transpose_lhs_hint = false} : vector<64x64xf32>, vector<64x512xf32>, vector<64x512xf32> -> vector<64x512xf32>
    %dot_general3A_555 = arith.constant dense<0.000000e+00> : vector<64x512xf32>
    %dot_general3A_556 = tpu.matmul %get3A_534, %slice3A_552, %dot_general3A_555 {dimension_numbers = #tpu.dot_dimension_numbers<[0], [0], [1], [1], [0, 1, 1, 1], [], []>, transpose_lhs_hint = false} : vector<64x64xf32>, vector<64x512xf32>, vector<64x512xf32> -> vector<64x512xf32>
    %add3A_557 = arith.addf %dot_general3A_554, %dot_general3A_556 : vector<64x512xf32>
    %add3A_558 = vector.broadcast %broadcast_in_dim3A_539 : vector<64x1xf32> to vector<64x512xf32>
    %add3A_559 = arith.addf %add3A_557, %add3A_558 : vector<64x512xf32>
    %slice3A_560 = vector.extract_strided_slice %max3A_524 {offsets = [128, 0], sizes = [64, 512], strides = [1, 1]} : vector<512x512xf32> to vector<64x512xf32>
    %slice3A_561 = vector.extract_strided_slice %dot_general3A_541 {offsets = [128, 0], sizes = [64, 512], strides = [1, 1]} : vector<512x512xf32> to vector<64x512xf32>
    %dot_general3A_562 = arith.constant dense<0.000000e+00> : vector<64x512xf32>
    %dot_general3A_563 = tpu.matmul %get3A_529, %slice3A_560, %dot_general3A_562 {dimension_numbers = #tpu.dot_dimension_numbers<[0], [0], [1], [1], [0, 1, 1, 1], [], []>, transpose_lhs_hint = false} : vector<64x64xf32>, vector<64x512xf32>, vector<64x512xf32> -> vector<64x512xf32>
    %dot_general3A_564 = arith.constant dense<0.000000e+00> : vector<64x512xf32>
    %dot_general3A_565 = tpu.matmul %get3A_534, %slice3A_561, %dot_general3A_564 {dimension_numbers = #tpu.dot_dimension_numbers<[0], [0], [1], [1], [0, 1, 1, 1], [], []>, transpose_lhs_hint = false} : vector<64x64xf32>, vector<64x512xf32>, vector<64x512xf32> -> vector<64x512xf32>
    %add3A_566 = arith.addf %dot_general3A_563, %dot_general3A_565 : vector<64x512xf32>
    %add3A_567 = vector.broadcast %broadcast_in_dim3A_539 : vector<64x1xf32> to vector<64x512xf32>
    %add3A_568 = arith.addf %add3A_566, %add3A_567 : vector<64x512xf32>
    %slice3A_569 = vector.extract_strided_slice %max3A_524 {offsets = [192, 0], sizes = [64, 512], strides = [1, 1]} : vector<512x512xf32> to vector<64x512xf32>
    %slice3A_570 = vector.extract_strided_slice %dot_general3A_541 {offsets = [192, 0], sizes = [64, 512], strides = [1, 1]} : vector<512x512xf32> to vector<64x512xf32>
    %dot_general3A_571 = arith.constant dense<0.000000e+00> : vector<64x512xf32>
    %dot_general3A_572 = tpu.matmul %get3A_529, %slice3A_569, %dot_general3A_571 {dimension_numbers = #tpu.dot_dimension_numbers<[0], [0], [1], [1], [0, 1, 1, 1], [], []>, transpose_lhs_hint = false} : vector<64x64xf32>, vector<64x512xf32>, vector<64x512xf32> -> vector<64x512xf32>
    %dot_general3A_573 = arith.constant dense<0.000000e+00> : vector<64x512xf32>
    %dot_general3A_574 = tpu.matmul %get3A_534, %slice3A_570, %dot_general3A_573 {dimension_numbers = #tpu.dot_dimension_numbers<[0], [0], [1], [1], [0, 1, 1, 1], [], []>, transpose_lhs_hint = false} : vector<64x64xf32>, vector<64x512xf32>, vector<64x512xf32> -> vector<64x512xf32>
    %add3A_575 = arith.addf %dot_general3A_572, %dot_general3A_574 : vector<64x512xf32>
    %add3A_576 = vector.broadcast %broadcast_in_dim3A_539 : vector<64x1xf32> to vector<64x512xf32>
    %add3A_577 = arith.addf %add3A_575, %add3A_576 : vector<64x512xf32>
    %slice3A_578 = vector.extract_strided_slice %max3A_524 {offsets = [256, 0], sizes = [64, 512], strides = [1, 1]} : vector<512x512xf32> to vector<64x512xf32>
    %slice3A_579 = vector.extract_strided_slice %dot_general3A_541 {offsets = [256, 0], sizes = [64, 512], strides = [1, 1]} : vector<512x512xf32> to vector<64x512xf32>
    %dot_general3A_580 = arith.constant dense<0.000000e+00> : vector<64x512xf32>
    %dot_general3A_581 = tpu.matmul %get3A_529, %slice3A_578, %dot_general3A_580 {dimension_numbers = #tpu.dot_dimension_numbers<[0], [0], [1], [1], [0, 1, 1, 1], [], []>, transpose_lhs_hint = false} : vector<64x64xf32>, vector<64x512xf32>, vector<64x512xf32> -> vector<64x512xf32>
    %dot_general3A_582 = arith.constant dense<0.000000e+00> : vector<64x512xf32>
    %dot_general3A_583 = tpu.matmul %get3A_534, %slice3A_579, %dot_general3A_582 {dimension_numbers = #tpu.dot_dimension_numbers<[0], [0], [1], [1], [0, 1, 1, 1], [], []>, transpose_lhs_hint = false} : vector<64x64xf32>, vector<64x512xf32>, vector<64x512xf32> -> vector<64x512xf32>
    %add3A_584 = arith.addf %dot_general3A_581, %dot_general3A_583 : vector<64x512xf32>
    %add3A_585 = vector.broadcast %broadcast_in_dim3A_539 : vector<64x1xf32> to vector<64x512xf32>
    %add3A_586 = arith.addf %add3A_584, %add3A_585 : vector<64x512xf32>
    %slice3A_587 = vector.extract_strided_slice %max3A_524 {offsets = [320, 0], sizes = [64, 512], strides = [1, 1]} : vector<512x512xf32> to vector<64x512xf32>
    %slice3A_588 = vector.extract_strided_slice %dot_general3A_541 {offsets = [320, 0], sizes = [64, 512], strides = [1, 1]} : vector<512x512xf32> to vector<64x512xf32>
    %dot_general3A_589 = arith.constant dense<0.000000e+00> : vector<64x512xf32>
    %dot_general3A_590 = tpu.matmul %get3A_529, %slice3A_587, %dot_general3A_589 {dimension_numbers = #tpu.dot_dimension_numbers<[0], [0], [1], [1], [0, 1, 1, 1], [], []>, transpose_lhs_hint = false} : vector<64x64xf32>, vector<64x512xf32>, vector<64x512xf32> -> vector<64x512xf32>
    %dot_general3A_591 = arith.constant dense<0.000000e+00> : vector<64x512xf32>
    %dot_general3A_592 = tpu.matmul %get3A_534, %slice3A_588, %dot_general3A_591 {dimension_numbers = #tpu.dot_dimension_numbers<[0], [0], [1], [1], [0, 1, 1, 1], [], []>, transpose_lhs_hint = false} : vector<64x64xf32>, vector<64x512xf32>, vector<64x512xf32> -> vector<64x512xf32>
    %add3A_593 = arith.addf %dot_general3A_590, %dot_general3A_592 : vector<64x512xf32>
    %add3A_594 = vector.broadcast %broadcast_in_dim3A_539 : vector<64x1xf32> to vector<64x512xf32>
    %add3A_595 = arith.addf %add3A_593, %add3A_594 : vector<64x512xf32>
    %slice3A_596 = vector.extract_strided_slice %max3A_524 {offsets = [384, 0], sizes = [64, 512], strides = [1, 1]} : vector<512x512xf32> to vector<64x512xf32>
    %slice3A_597 = vector.extract_strided_slice %dot_general3A_541 {offsets = [384, 0], sizes = [64, 512], strides = [1, 1]} : vector<512x512xf32> to vector<64x512xf32>
    %dot_general3A_598 = arith.constant dense<0.000000e+00> : vector<64x512xf32>
    %dot_general3A_599 = tpu.matmul %get3A_529, %slice3A_596, %dot_general3A_598 {dimension_numbers = #tpu.dot_dimension_numbers<[0], [0], [1], [1], [0, 1, 1, 1], [], []>, transpose_lhs_hint = false} : vector<64x64xf32>, vector<64x512xf32>, vector<64x512xf32> -> vector<64x512xf32>
    %dot_general3A_600 = arith.constant dense<0.000000e+00> : vector<64x512xf32>
    %dot_general3A_601 = tpu.matmul %get3A_534, %slice3A_597, %dot_general3A_600 {dimension_numbers = #tpu.dot_dimension_numbers<[0], [0], [1], [1], [0, 1, 1, 1], [], []>, transpose_lhs_hint = false} : vector<64x64xf32>, vector<64x512xf32>, vector<64x512xf32> -> vector<64x512xf32>
    %add3A_602 = arith.addf %dot_general3A_599, %dot_general3A_601 : vector<64x512xf32>
    %add3A_603 = vector.broadcast %broadcast_in_dim3A_539 : vector<64x1xf32> to vector<64x512xf32>
    %add3A_604 = arith.addf %add3A_602, %add3A_603 : vector<64x512xf32>
    %slice3A_605 = vector.extract_strided_slice %max3A_524 {offsets = [448, 0], sizes = [64, 512], strides = [1, 1]} : vector<512x512xf32> to vector<64x512xf32>
    %slice3A_606 = vector.extract_strided_slice %dot_general3A_541 {offsets = [448, 0], sizes = [64, 512], strides = [1, 1]} : vector<512x512xf32> to vector<64x512xf32>
    %dot_general3A_607 = arith.constant dense<0.000000e+00> : vector<64x512xf32>
    %dot_general3A_608 = tpu.matmul %get3A_529, %slice3A_605, %dot_general3A_607 {dimension_numbers = #tpu.dot_dimension_numbers<[0], [0], [1], [1], [0, 1, 1, 1], [], []>, transpose_lhs_hint = false} : vector<64x64xf32>, vector<64x512xf32>, vector<64x512xf32> -> vector<64x512xf32>
    %dot_general3A_609 = arith.constant dense<0.000000e+00> : vector<64x512xf32>
    %dot_general3A_610 = tpu.matmul %get3A_534, %slice3A_606, %dot_general3A_609 {dimension_numbers = #tpu.dot_dimension_numbers<[0], [0], [1], [1], [0, 1, 1, 1], [], []>, transpose_lhs_hint = false} : vector<64x64xf32>, vector<64x512xf32>, vector<64x512xf32> -> vector<64x512xf32>
    %add3A_611 = arith.addf %dot_general3A_608, %dot_general3A_610 : vector<64x512xf32>
    %add3A_612 = vector.broadcast %broadcast_in_dim3A_539 : vector<64x1xf32> to vector<64x512xf32>
    %add3A_613 = arith.addf %add3A_611, %add3A_612 : vector<64x512xf32>
    %concatenate3A_614 = tpu.concatenate %add3A_550, %add3A_559, %add3A_568, %add3A_577, %add3A_586, %add3A_595, %add3A_604, %add3A_613 in 0 : vector<64x512xf32>, vector<64x512xf32>, vector<64x512xf32>, vector<64x512xf32>, vector<64x512xf32>, vector<64x512xf32>, vector<64x512xf32>, vector<64x512xf32> -> vector<512x512xf32>
    %max3A_615 = arith.constant 0.000000e+00 : f32
    %max3A_616 = vector.broadcast %max3A_615 : f32 to vector<512x512xf32>
    %max3A_617 = arith.maximumf %concatenate3A_614, %max3A_616 : vector<512x512xf32>
    %dot_general3A_618 = arith.constant dense<0.000000e+00> : vector<512x512xf32>
    %dot_general3A_619 = tpu.matmul %max3A_617, %mul3A_14, %dot_general3A_618 {dimension_numbers = #tpu.dot_dimension_numbers<[1], [0], [0], [1], [0, 0, 1, 1], [], []>, precision = #tpu.contract_precision<fp32>, transpose_lhs_hint = false} : vector<512x512xf32>, vector<512x512xf32>, vector<512x512xf32> -> vector<512x512xf32>
    %slice3A_620 = vector.extract_strided_slice %max3A_617 {offsets = [0, 0], sizes = [64, 512], strides = [1, 1]} : vector<512x512xf32> to vector<64x512xf32>
    %slice3A_621 = vector.extract_strided_slice %dot_general3A_619 {offsets = [0, 0], sizes = [64, 512], strides = [1, 1]} : vector<512x512xf32> to vector<64x512xf32>
    %get3A_622 = arith.constant 5 : index
    %get3A_623 = arith.constant 0 : index
    %get3A_624 = arith.constant 0 : index
    %get3A_625 = vector.load %arg3[%get3A_622, %get3A_623, %get3A_624] : memref<6x64x64xf32, #tpu.memory_space<vmem>>, vector<1x64x64xf32>
    %get3A_626 = vector.shape_cast %get3A_625 : vector<1x64x64xf32> to vector<64x64xf32>
    %dot_general3A_627 = arith.constant dense<0.000000e+00> : vector<512x64xf32>
    %dot_general3A_628 = tpu.matmul %slice3A_620, %get3A_626, %dot_general3A_627 {dimension_numbers = #tpu.dot_dimension_numbers<[0], [0], [1], [1], [0, 1, 1, 1], [], []>, transpose_lhs_hint = false} : vector<64x512xf32>, vector<64x64xf32>, vector<512x64xf32> -> vector<512x64xf32>
    %get3A_629 = arith.constant 5 : index
    %get3A_630 = arith.constant 0 : index
    %get3A_631 = arith.constant 0 : index
    %get3A_632 = vector.load %arg4[%get3A_629, %get3A_630, %get3A_631] : memref<6x64x64xf32, #tpu.memory_space<vmem>>, vector<1x64x64xf32>
    %get3A_633 = vector.shape_cast %get3A_632 : vector<1x64x64xf32> to vector<64x64xf32>
    %dot_general3A_634 = arith.constant dense<0.000000e+00> : vector<512x64xf32>
    %dot_general3A_635 = tpu.matmul %slice3A_621, %get3A_633, %dot_general3A_634 {dimension_numbers = #tpu.dot_dimension_numbers<[0], [0], [1], [1], [0, 1, 1, 1], [], []>, transpose_lhs_hint = false} : vector<64x512xf32>, vector<64x64xf32>, vector<512x64xf32> -> vector<512x64xf32>
    %add3A_636 = arith.addf %dot_general3A_628, %dot_general3A_635 : vector<512x64xf32>
    %get3A_637 = arith.constant 5 : index
    %get3A_638 = arith.constant 0 : index
    %get3A_639 = vector.load %arg5[%get3A_637, %get3A_638] : memref<6x64xf32, #tpu.memory_space<vmem>>, vector<1x64xf32>
    %get3A_640 = vector.shape_cast %get3A_639 : vector<1x64xf32> to vector<64xf32>
    %broadcast_in_dim3A_641 = vector.shape_cast %get3A_640 : vector<64xf32> to vector<1x64xf32>
    %add3A_642 = vector.broadcast %broadcast_in_dim3A_641 : vector<1x64xf32> to vector<512x64xf32>
    %add3A_643 = arith.addf %add3A_636, %add3A_642 : vector<512x64xf32>
    %swap3A = arith.constant 0 : index
    %swap3A_644 = arith.constant 0 : index
    %swap3A_645 = arith.constant 0 : index
    %swap3A_646 = vector.load %arg6[%swap3A, %swap3A_644, %swap3A_645] : memref<8x512x64xf32, #tpu.memory_space<vmem>>, vector<1x512x64xf32>
    %swap3A_647 = vector.shape_cast %swap3A_646 : vector<1x512x64xf32> to vector<512x64xf32>
    %swap3A_648 = vector.shape_cast %add3A_643 : vector<512x64xf32> to vector<1x512x64xf32>
    tpu.vector_store %arg6[%swap3A, %swap3A_644, %swap3A_645], %swap3A_648 {strides = array<i32>} : memref<8x512x64xf32, #tpu.memory_space<vmem>>, vector<1x512x64xf32>,
    %slice3A_649 = vector.extract_strided_slice %max3A_617 {offsets = [64, 0], sizes = [64, 512], strides = [1, 1]} : vector<512x512xf32> to vector<64x512xf32>
    %slice3A_650 = vector.extract_strided_slice %dot_general3A_619 {offsets = [64, 0], sizes = [64, 512], strides = [1, 1]} : vector<512x512xf32> to vector<64x512xf32>
    %get3A_651 = arith.constant 5 : index
    %get3A_652 = arith.constant 0 : index
    %get3A_653 = arith.constant 0 : index
    %get3A_654 = vector.load %arg3[%get3A_651, %get3A_652, %get3A_653] : memref<6x64x64xf32, #tpu.memory_space<vmem>>, vector<1x64x64xf32>
    %get3A_655 = vector.shape_cast %get3A_654 : vector<1x64x64xf32> to vector<64x64xf32>
    %dot_general3A_656 = arith.constant dense<0.000000e+00> : vector<512x64xf32>
    %dot_general3A_657 = tpu.matmul %slice3A_649, %get3A_655, %dot_general3A_656 {dimension_numbers = #tpu.dot_dimension_numbers<[0], [0], [1], [1], [0, 1, 1, 1], [], []>, transpose_lhs_hint = false} : vector<64x512xf32>, vector<64x64xf32>, vector<512x64xf32> -> vector<512x64xf32>
    %get3A_658 = arith.constant 5 : index
    %get3A_659 = arith.constant 0 : index
    %get3A_660 = arith.constant 0 : index
    %get3A_661 = vector.load %arg4[%get3A_658, %get3A_659, %get3A_660] : memref<6x64x64xf32, #tpu.memory_space<vmem>>, vector<1x64x64xf32>
    %get3A_662 = vector.shape_cast %get3A_661 : vector<1x64x64xf32> to vector<64x64xf32>
    %dot_general3A_663 = arith.constant dense<0.000000e+00> : vector<512x64xf32>
    %dot_general3A_664 = tpu.matmul %slice3A_650, %get3A_662, %dot_general3A_663 {dimension_numbers = #tpu.dot_dimension_numbers<[0], [0], [1], [1], [0, 1, 1, 1], [], []>, transpose_lhs_hint = false} : vector<64x512xf32>, vector<64x64xf32>, vector<512x64xf32> -> vector<512x64xf32>
    %add3A_665 = arith.addf %dot_general3A_657, %dot_general3A_664 : vector<512x64xf32>
    %get3A_666 = arith.constant 5 : index
    %get3A_667 = arith.constant 0 : index
    %get3A_668 = vector.load %arg5[%get3A_666, %get3A_667] : memref<6x64xf32, #tpu.memory_space<vmem>>, vector<1x64xf32>
    %get3A_669 = vector.shape_cast %get3A_668 : vector<1x64xf32> to vector<64xf32>
    %broadcast_in_dim3A_670 = vector.shape_cast %get3A_669 : vector<64xf32> to vector<1x64xf32>
    %add3A_671 = vector.broadcast %broadcast_in_dim3A_670 : vector<1x64xf32> to vector<512x64xf32>
    %add3A_672 = arith.addf %add3A_665, %add3A_671 : vector<512x64xf32>
    %swap3A_673 = arith.constant 1 : index
    %swap3A_674 = arith.constant 0 : index
    %swap3A_675 = arith.constant 0 : index
    %swap3A_676 = vector.load %arg6[%swap3A_673, %swap3A_674, %swap3A_675] : memref<8x512x64xf32, #tpu.memory_space<vmem>>, vector<1x512x64xf32>
    %swap3A_677 = vector.shape_cast %swap3A_676 : vector<1x512x64xf32> to vector<512x64xf32>
    %swap3A_678 = vector.shape_cast %add3A_672 : vector<512x64xf32> to vector<1x512x64xf32>
    tpu.vector_store %arg6[%swap3A_673, %swap3A_674, %swap3A_675], %swap3A_678 {strides = array<i32>} : memref<8x512x64xf32, #tpu.memory_space<vmem>>, vector<1x512x64xf32>,
    %slice3A_679 = vector.extract_strided_slice %max3A_617 {offsets = [128, 0], sizes = [64, 512], strides = [1, 1]} : vector<512x512xf32> to vector<64x512xf32>
    %slice3A_680 = vector.extract_strided_slice %dot_general3A_619 {offsets = [128, 0], sizes = [64, 512], strides = [1, 1]} : vector<512x512xf32> to vector<64x512xf32>
    %get3A_681 = arith.constant 5 : index
    %get3A_682 = arith.constant 0 : index
    %get3A_683 = arith.constant 0 : index
    %get3A_684 = vector.load %arg3[%get3A_681, %get3A_682, %get3A_683] : memref<6x64x64xf32, #tpu.memory_space<vmem>>, vector<1x64x64xf32>
    %get3A_685 = vector.shape_cast %get3A_684 : vector<1x64x64xf32> to vector<64x64xf32>
    %dot_general3A_686 = arith.constant dense<0.000000e+00> : vector<512x64xf32>
    %dot_general3A_687 = tpu.matmul %slice3A_679, %get3A_685, %dot_general3A_686 {dimension_numbers = #tpu.dot_dimension_numbers<[0], [0], [1], [1], [0, 1, 1, 1], [], []>, transpose_lhs_hint = false} : vector<64x512xf32>, vector<64x64xf32>, vector<512x64xf32> -> vector<512x64xf32>
    %get3A_688 = arith.constant 5 : index
    %get3A_689 = arith.constant 0 : index
    %get3A_690 = arith.constant 0 : index
    %get3A_691 = vector.load %arg4[%get3A_688, %get3A_689, %get3A_690] : memref<6x64x64xf32, #tpu.memory_space<vmem>>, vector<1x64x64xf32>
    %get3A_692 = vector.shape_cast %get3A_691 : vector<1x64x64xf32> to vector<64x64xf32>
    %dot_general3A_693 = arith.constant dense<0.000000e+00> : vector<512x64xf32>
    %dot_general3A_694 = tpu.matmul %slice3A_680, %get3A_692, %dot_general3A_693 {dimension_numbers = #tpu.dot_dimension_numbers<[0], [0], [1], [1], [0, 1, 1, 1], [], []>, transpose_lhs_hint = false} : vector<64x512xf32>, vector<64x64xf32>, vector<512x64xf32> -> vector<512x64xf32>
    %add3A_695 = arith.addf %dot_general3A_687, %dot_general3A_694 : vector<512x64xf32>
    %get3A_696 = arith.constant 5 : index
    %get3A_697 = arith.constant 0 : index
    %get3A_698 = vector.load %arg5[%get3A_696, %get3A_697] : memref<6x64xf32, #tpu.memory_space<vmem>>, vector<1x64xf32>
    %get3A_699 = vector.shape_cast %get3A_698 : vector<1x64xf32> to vector<64xf32>
    %broadcast_in_dim3A_700 = vector.shape_cast %get3A_699 : vector<64xf32> to vector<1x64xf32>
    %add3A_701 = vector.broadcast %broadcast_in_dim3A_700 : vector<1x64xf32> to vector<512x64xf32>
    %add3A_702 = arith.addf %add3A_695, %add3A_701 : vector<512x64xf32>
    %swap3A_703 = arith.constant 2 : index
    %swap3A_704 = arith.constant 0 : index
    %swap3A_705 = arith.constant 0 : index
    %swap3A_706 = vector.load %arg6[%swap3A_703, %swap3A_704, %swap3A_705] : memref<8x512x64xf32, #tpu.memory_space<vmem>>, vector<1x512x64xf32>
    %swap3A_707 = vector.shape_cast %swap3A_706 : vector<1x512x64xf32> to vector<512x64xf32>
    %swap3A_708 = vector.shape_cast %add3A_702 : vector<512x64xf32> to vector<1x512x64xf32>
    tpu.vector_store %arg6[%swap3A_703, %swap3A_704, %swap3A_705], %swap3A_708 {strides = array<i32>} : memref<8x512x64xf32, #tpu.memory_space<vmem>>, vector<1x512x64xf32>,
    %slice3A_709 = vector.extract_strided_slice %max3A_617 {offsets = [192, 0], sizes = [64, 512], strides = [1, 1]} : vector<512x512xf32> to vector<64x512xf32>
    %slice3A_710 = vector.extract_strided_slice %dot_general3A_619 {offsets = [192, 0], sizes = [64, 512], strides = [1, 1]} : vector<512x512xf32> to vector<64x512xf32>
    %get3A_711 = arith.constant 5 : index
    %get3A_712 = arith.constant 0 : index
    %get3A_713 = arith.constant 0 : index
    %get3A_714 = vector.load %arg3[%get3A_711, %get3A_712, %get3A_713] : memref<6x64x64xf32, #tpu.memory_space<vmem>>, vector<1x64x64xf32>
    %get3A_715 = vector.shape_cast %get3A_714 : vector<1x64x64xf32> to vector<64x64xf32>
    %dot_general3A_716 = arith.constant dense<0.000000e+00> : vector<512x64xf32>
    %dot_general3A_717 = tpu.matmul %slice3A_709, %get3A_715, %dot_general3A_716 {dimension_numbers = #tpu.dot_dimension_numbers<[0], [0], [1], [1], [0, 1, 1, 1], [], []>, transpose_lhs_hint = false} : vector<64x512xf32>, vector<64x64xf32>, vector<512x64xf32> -> vector<512x64xf32>
    %get3A_718 = arith.constant 5 : index
    %get3A_719 = arith.constant 0 : index
    %get3A_720 = arith.constant 0 : index
    %get3A_721 = vector.load %arg4[%get3A_718, %get3A_719, %get3A_720] : memref<6x64x64xf32, #tpu.memory_space<vmem>>, vector<1x64x64xf32>
    %get3A_722 = vector.shape_cast %get3A_721 : vector<1x64x64xf32> to vector<64x64xf32>
    %dot_general3A_723 = arith.constant dense<0.000000e+00> : vector<512x64xf32>
    %dot_general3A_724 = tpu.matmul %slice3A_710, %get3A_722, %dot_general3A_723 {dimension_numbers = #tpu.dot_dimension_numbers<[0], [0], [1], [1], [0, 1, 1, 1], [], []>, transpose_lhs_hint = false} : vector<64x512xf32>, vector<64x64xf32>, vector<512x64xf32> -> vector<512x64xf32>
    %add3A_725 = arith.addf %dot_general3A_717, %dot_general3A_724 : vector<512x64xf32>
    %get3A_726 = arith.constant 5 : index
    %get3A_727 = arith.constant 0 : index
    %get3A_728 = vector.load %arg5[%get3A_726, %get3A_727] : memref<6x64xf32, #tpu.memory_space<vmem>>, vector<1x64xf32>
    %get3A_729 = vector.shape_cast %get3A_728 : vector<1x64xf32> to vector<64xf32>
    %broadcast_in_dim3A_730 = vector.shape_cast %get3A_729 : vector<64xf32> to vector<1x64xf32>
    %add3A_731 = vector.broadcast %broadcast_in_dim3A_730 : vector<1x64xf32> to vector<512x64xf32>
    %add3A_732 = arith.addf %add3A_725, %add3A_731 : vector<512x64xf32>
    %swap3A_733 = arith.constant 3 : index
    %swap3A_734 = arith.constant 0 : index
    %swap3A_735 = arith.constant 0 : index
    %swap3A_736 = vector.load %arg6[%swap3A_733, %swap3A_734, %swap3A_735] : memref<8x512x64xf32, #tpu.memory_space<vmem>>, vector<1x512x64xf32>
    %swap3A_737 = vector.shape_cast %swap3A_736 : vector<1x512x64xf32> to vector<512x64xf32>
    %swap3A_738 = vector.shape_cast %add3A_732 : vector<512x64xf32> to vector<1x512x64xf32>
    tpu.vector_store %arg6[%swap3A_733, %swap3A_734, %swap3A_735], %swap3A_738 {strides = array<i32>} : memref<8x512x64xf32, #tpu.memory_space<vmem>>, vector<1x512x64xf32>,
    %slice3A_739 = vector.extract_strided_slice %max3A_617 {offsets = [256, 0], sizes = [64, 512], strides = [1, 1]} : vector<512x512xf32> to vector<64x512xf32>
    %slice3A_740 = vector.extract_strided_slice %dot_general3A_619 {offsets = [256, 0], sizes = [64, 512], strides = [1, 1]} : vector<512x512xf32> to vector<64x512xf32>
    %get3A_741 = arith.constant 5 : index
    %get3A_742 = arith.constant 0 : index
    %get3A_743 = arith.constant 0 : index
    %get3A_744 = vector.load %arg3[%get3A_741, %get3A_742, %get3A_743] : memref<6x64x64xf32, #tpu.memory_space<vmem>>, vector<1x64x64xf32>
    %get3A_745 = vector.shape_cast %get3A_744 : vector<1x64x64xf32> to vector<64x64xf32>
    %dot_general3A_746 = arith.constant dense<0.000000e+00> : vector<512x64xf32>
    %dot_general3A_747 = tpu.matmul %slice3A_739, %get3A_745, %dot_general3A_746 {dimension_numbers = #tpu.dot_dimension_numbers<[0], [0], [1], [1], [0, 1, 1, 1], [], []>, transpose_lhs_hint = false} : vector<64x512xf32>, vector<64x64xf32>, vector<512x64xf32> -> vector<512x64xf32>
    %get3A_748 = arith.constant 5 : index
    %get3A_749 = arith.constant 0 : index
    %get3A_750 = arith.constant 0 : index
    %get3A_751 = vector.load %arg4[%get3A_748, %get3A_749, %get3A_750] : memref<6x64x64xf32, #tpu.memory_space<vmem>>, vector<1x64x64xf32>
    %get3A_752 = vector.shape_cast %get3A_751 : vector<1x64x64xf32> to vector<64x64xf32>
    %dot_general3A_753 = arith.constant dense<0.000000e+00> : vector<512x64xf32>
    %dot_general3A_754 = tpu.matmul %slice3A_740, %get3A_752, %dot_general3A_753 {dimension_numbers = #tpu.dot_dimension_numbers<[0], [0], [1], [1], [0, 1, 1, 1], [], []>, transpose_lhs_hint = false} : vector<64x512xf32>, vector<64x64xf32>, vector<512x64xf32> -> vector<512x64xf32>
    %add3A_755 = arith.addf %dot_general3A_747, %dot_general3A_754 : vector<512x64xf32>
    %get3A_756 = arith.constant 5 : index
    %get3A_757 = arith.constant 0 : index
    %get3A_758 = vector.load %arg5[%get3A_756, %get3A_757] : memref<6x64xf32, #tpu.memory_space<vmem>>, vector<1x64xf32>
    %get3A_759 = vector.shape_cast %get3A_758 : vector<1x64xf32> to vector<64xf32>
    %broadcast_in_dim3A_760 = vector.shape_cast %get3A_759 : vector<64xf32> to vector<1x64xf32>
    %add3A_761 = vector.broadcast %broadcast_in_dim3A_760 : vector<1x64xf32> to vector<512x64xf32>
    %add3A_762 = arith.addf %add3A_755, %add3A_761 : vector<512x64xf32>
    %swap3A_763 = arith.constant 4 : index
    %swap3A_764 = arith.constant 0 : index
    %swap3A_765 = arith.constant 0 : index
    %swap3A_766 = vector.load %arg6[%swap3A_763, %swap3A_764, %swap3A_765] : memref<8x512x64xf32, #tpu.memory_space<vmem>>, vector<1x512x64xf32>
    %swap3A_767 = vector.shape_cast %swap3A_766 : vector<1x512x64xf32> to vector<512x64xf32>
    %swap3A_768 = vector.shape_cast %add3A_762 : vector<512x64xf32> to vector<1x512x64xf32>
    tpu.vector_store %arg6[%swap3A_763, %swap3A_764, %swap3A_765], %swap3A_768 {strides = array<i32>} : memref<8x512x64xf32, #tpu.memory_space<vmem>>, vector<1x512x64xf32>,
    %slice3A_769 = vector.extract_strided_slice %max3A_617 {offsets = [320, 0], sizes = [64, 512], strides = [1, 1]} : vector<512x512xf32> to vector<64x512xf32>
    %slice3A_770 = vector.extract_strided_slice %dot_general3A_619 {offsets = [320, 0], sizes = [64, 512], strides = [1, 1]} : vector<512x512xf32> to vector<64x512xf32>
    %get3A_771 = arith.constant 5 : index
    %get3A_772 = arith.constant 0 : index
    %get3A_773 = arith.constant 0 : index
    %get3A_774 = vector.load %arg3[%get3A_771, %get3A_772, %get3A_773] : memref<6x64x64xf32, #tpu.memory_space<vmem>>, vector<1x64x64xf32>
    %get3A_775 = vector.shape_cast %get3A_774 : vector<1x64x64xf32> to vector<64x64xf32>
    %dot_general3A_776 = arith.constant dense<0.000000e+00> : vector<512x64xf32>
    %dot_general3A_777 = tpu.matmul %slice3A_769, %get3A_775, %dot_general3A_776 {dimension_numbers = #tpu.dot_dimension_numbers<[0], [0], [1], [1], [0, 1, 1, 1], [], []>, transpose_lhs_hint = false} : vector<64x512xf32>, vector<64x64xf32>, vector<512x64xf32> -> vector<512x64xf32>
    %get3A_778 = arith.constant 5 : index
    %get3A_779 = arith.constant 0 : index
    %get3A_780 = arith.constant 0 : index
    %get3A_781 = vector.load %arg4[%get3A_778, %get3A_779, %get3A_780] : memref<6x64x64xf32, #tpu.memory_space<vmem>>, vector<1x64x64xf32>
    %get3A_782 = vector.shape_cast %get3A_781 : vector<1x64x64xf32> to vector<64x64xf32>
    %dot_general3A_783 = arith.constant dense<0.000000e+00> : vector<512x64xf32>
    %dot_general3A_784 = tpu.matmul %slice3A_770, %get3A_782, %dot_general3A_783 {dimension_numbers = #tpu.dot_dimension_numbers<[0], [0], [1], [1], [0, 1, 1, 1], [], []>, transpose_lhs_hint = false} : vector<64x512xf32>, vector<64x64xf32>, vector<512x64xf32> -> vector<512x64xf32>
    %add3A_785 = arith.addf %dot_general3A_777, %dot_general3A_784 : vector<512x64xf32>
    %get3A_786 = arith.constant 5 : index
    %get3A_787 = arith.constant 0 : index
    %get3A_788 = vector.load %arg5[%get3A_786, %get3A_787] : memref<6x64xf32, #tpu.memory_space<vmem>>, vector<1x64xf32>
    %get3A_789 = vector.shape_cast %get3A_788 : vector<1x64xf32> to vector<64xf32>
    %broadcast_in_dim3A_790 = vector.shape_cast %get3A_789 : vector<64xf32> to vector<1x64xf32>
    %add3A_791 = vector.broadcast %broadcast_in_dim3A_790 : vector<1x64xf32> to vector<512x64xf32>
    %add3A_792 = arith.addf %add3A_785, %add3A_791 : vector<512x64xf32>
    %swap3A_793 = arith.constant 5 : index
    %swap3A_794 = arith.constant 0 : index
    %swap3A_795 = arith.constant 0 : index
    %swap3A_796 = vector.load %arg6[%swap3A_793, %swap3A_794, %swap3A_795] : memref<8x512x64xf32, #tpu.memory_space<vmem>>, vector<1x512x64xf32>
    %swap3A_797 = vector.shape_cast %swap3A_796 : vector<1x512x64xf32> to vector<512x64xf32>
    %swap3A_798 = vector.shape_cast %add3A_792 : vector<512x64xf32> to vector<1x512x64xf32>
    tpu.vector_store %arg6[%swap3A_793, %swap3A_794, %swap3A_795], %swap3A_798 {strides = array<i32>} : memref<8x512x64xf32, #tpu.memory_space<vmem>>, vector<1x512x64xf32>,
    %slice3A_799 = vector.extract_strided_slice %max3A_617 {offsets = [384, 0], sizes = [64, 512], strides = [1, 1]} : vector<512x512xf32> to vector<64x512xf32>
    %slice3A_800 = vector.extract_strided_slice %dot_general3A_619 {offsets = [384, 0], sizes = [64, 512], strides = [1, 1]} : vector<512x512xf32> to vector<64x512xf32>
    %get3A_801 = arith.constant 5 : index
    %get3A_802 = arith.constant 0 : index
    %get3A_803 = arith.constant 0 : index
    %get3A_804 = vector.load %arg3[%get3A_801, %get3A_802, %get3A_803] : memref<6x64x64xf32, #tpu.memory_space<vmem>>, vector<1x64x64xf32>
    %get3A_805 = vector.shape_cast %get3A_804 : vector<1x64x64xf32> to vector<64x64xf32>
    %dot_general3A_806 = arith.constant dense<0.000000e+00> : vector<512x64xf32>
    %dot_general3A_807 = tpu.matmul %slice3A_799, %get3A_805, %dot_general3A_806 {dimension_numbers = #tpu.dot_dimension_numbers<[0], [0], [1], [1], [0, 1, 1, 1], [], []>, transpose_lhs_hint = false} : vector<64x512xf32>, vector<64x64xf32>, vector<512x64xf32> -> vector<512x64xf32>
    %get3A_808 = arith.constant 5 : index
    %get3A_809 = arith.constant 0 : index
    %get3A_810 = arith.constant 0 : index
    %get3A_811 = vector.load %arg4[%get3A_808, %get3A_809, %get3A_810] : memref<6x64x64xf32, #tpu.memory_space<vmem>>, vector<1x64x64xf32>
    %get3A_812 = vector.shape_cast %get3A_811 : vector<1x64x64xf32> to vector<64x64xf32>
    %dot_general3A_813 = arith.constant dense<0.000000e+00> : vector<512x64xf32>
    %dot_general3A_814 = tpu.matmul %slice3A_800, %get3A_812, %dot_general3A_813 {dimension_numbers = #tpu.dot_dimension_numbers<[0], [0], [1], [1], [0, 1, 1, 1], [], []>, transpose_lhs_hint = false} : vector<64x512xf32>, vector<64x64xf32>, vector<512x64xf32> -> vector<512x64xf32>
    %add3A_815 = arith.addf %dot_general3A_807, %dot_general3A_814 : vector<512x64xf32>
    %get3A_816 = arith.constant 5 : index
    %get3A_817 = arith.constant 0 : index
    %get3A_818 = vector.load %arg5[%get3A_816, %get3A_817] : memref<6x64xf32, #tpu.memory_space<vmem>>, vector<1x64xf32>
    %get3A_819 = vector.shape_cast %get3A_818 : vector<1x64xf32> to vector<64xf32>
    %broadcast_in_dim3A_820 = vector.shape_cast %get3A_819 : vector<64xf32> to vector<1x64xf32>
    %add3A_821 = vector.broadcast %broadcast_in_dim3A_820 : vector<1x64xf32> to vector<512x64xf32>
    %add3A_822 = arith.addf %add3A_815, %add3A_821 : vector<512x64xf32>
    %swap3A_823 = arith.constant 6 : index
    %swap3A_824 = arith.constant 0 : index
    %swap3A_825 = arith.constant 0 : index
    %swap3A_826 = vector.load %arg6[%swap3A_823, %swap3A_824, %swap3A_825] : memref<8x512x64xf32, #tpu.memory_space<vmem>>, vector<1x512x64xf32>
    %swap3A_827 = vector.shape_cast %swap3A_826 : vector<1x512x64xf32> to vector<512x64xf32>
    %swap3A_828 = vector.shape_cast %add3A_822 : vector<512x64xf32> to vector<1x512x64xf32>
    tpu.vector_store %arg6[%swap3A_823, %swap3A_824, %swap3A_825], %swap3A_828 {strides = array<i32>} : memref<8x512x64xf32, #tpu.memory_space<vmem>>, vector<1x512x64xf32>,
    %slice3A_829 = vector.extract_strided_slice %max3A_617 {offsets = [448, 0], sizes = [64, 512], strides = [1, 1]} : vector<512x512xf32> to vector<64x512xf32>
    %slice3A_830 = vector.extract_strided_slice %dot_general3A_619 {offsets = [448, 0], sizes = [64, 512], strides = [1, 1]} : vector<512x512xf32> to vector<64x512xf32>
    %get3A_831 = arith.constant 5 : index
    %get3A_832 = arith.constant 0 : index
    %get3A_833 = arith.constant 0 : index
    %get3A_834 = vector.load %arg3[%get3A_831, %get3A_832, %get3A_833] : memref<6x64x64xf32, #tpu.memory_space<vmem>>, vector<1x64x64xf32>
    %get3A_835 = vector.shape_cast %get3A_834 : vector<1x64x64xf32> to vector<64x64xf32>
    %dot_general3A_836 = arith.constant dense<0.000000e+00> : vector<512x64xf32>
    %dot_general3A_837 = tpu.matmul %slice3A_829, %get3A_835, %dot_general3A_836 {dimension_numbers = #tpu.dot_dimension_numbers<[0], [0], [1], [1], [0, 1, 1, 1], [], []>, transpose_lhs_hint = false} : vector<64x512xf32>, vector<64x64xf32>, vector<512x64xf32> -> vector<512x64xf32>
    %get3A_838 = arith.constant 5 : index
    %get3A_839 = arith.constant 0 : index
    %get3A_840 = arith.constant 0 : index
    %get3A_841 = vector.load %arg4[%get3A_838, %get3A_839, %get3A_840] : memref<6x64x64xf32, #tpu.memory_space<vmem>>, vector<1x64x64xf32>
    %get3A_842 = vector.shape_cast %get3A_841 : vector<1x64x64xf32> to vector<64x64xf32>
    %dot_general3A_843 = arith.constant dense<0.000000e+00> : vector<512x64xf32>
    %dot_general3A_844 = tpu.matmul %slice3A_830, %get3A_842, %dot_general3A_843 {dimension_numbers = #tpu.dot_dimension_numbers<[0], [0], [1], [1], [0, 1, 1, 1], [], []>, transpose_lhs_hint = false} : vector<64x512xf32>, vector<64x64xf32>, vector<512x64xf32> -> vector<512x64xf32>
    %add3A_845 = arith.addf %dot_general3A_837, %dot_general3A_844 : vector<512x64xf32>
    %get3A_846 = arith.constant 5 : index
    %get3A_847 = arith.constant 0 : index
    %get3A_848 = vector.load %arg5[%get3A_846, %get3A_847] : memref<6x64xf32, #tpu.memory_space<vmem>>, vector<1x64xf32>
    %get3A_849 = vector.shape_cast %get3A_848 : vector<1x64xf32> to vector<64xf32>
    %broadcast_in_dim3A_850 = vector.shape_cast %get3A_849 : vector<64xf32> to vector<1x64xf32>
    %add3A_851 = vector.broadcast %broadcast_in_dim3A_850 : vector<1x64xf32> to vector<512x64xf32>
    %add3A_852 = arith.addf %add3A_845, %add3A_851 : vector<512x64xf32>
    %swap3A_853 = arith.constant 7 : index
    %swap3A_854 = arith.constant 0 : index
    %swap3A_855 = arith.constant 0 : index
    %swap3A_856 = vector.load %arg6[%swap3A_853, %swap3A_854, %swap3A_855] : memref<8x512x64xf32, #tpu.memory_space<vmem>>, vector<1x512x64xf32>
    %swap3A_857 = vector.shape_cast %swap3A_856 : vector<1x512x64xf32> to vector<512x64xf32>
    %swap3A_858 = vector.shape_cast %add3A_852 : vector<512x64xf32> to vector<1x512x64xf32>
    tpu.vector_store %arg6[%swap3A_853, %swap3A_854, %swap3A_855], %swap3A_858 {strides = array<i32>} : memref<8x512x64xf32, #tpu.memory_space<vmem>>, vector<1x512x64xf32>,
    return
  }
  func.func @transform_0(%arg0: i32) -> (i32, i32, i32) {
    %c0_i32 = arith.constant 0 : i32
    %c0_i32_0 = arith.constant 0 : i32
    %c0_i32_1 = arith.constant 0 : i32
    return %arg0, %c0_i32, %c0_i32_0 : i32, i32, i32
  }
  func.func @transform_1(%arg0: i32) -> (i32, i32) {
    %c0_i32 = arith.constant 0 : i32
    %c0_i32_0 = arith.constant 0 : i32
    %c0_i32_1 = arith.constant 0 : i32
    return %c0_i32, %c0_i32_0 : i32, i32
  }
  func.func @transform_2(%arg0: i32) -> (i32, i32, i32) {
    %c0_i32 = arith.constant 0 : i32
    %c0_i32_0 = arith.constant 0 : i32
    %c0_i32_1 = arith.constant 0 : i32
    %c0_i32_2 = arith.constant 0 : i32
    return %c0_i32, %c0_i32_0, %c0_i32_1 : i32, i32, i32
  }
  func.func @transform_3(%arg0: i32) -> (i32, i32, i32) {
    %c0_i32 = arith.constant 0 : i32
    %c0_i32_0 = arith.constant 0 : i32
    %c0_i32_1 = arith.constant 0 : i32
    %c0_i32_2 = arith.constant 0 : i32
    return %c0_i32, %c0_i32_0, %c0_i32_1 : i32, i32, i32
  }
  func.func @transform_4(%arg0: i32) -> (i32, i32) {
    %c0_i32 = arith.constant 0 : i32
    %c0_i32_0 = arith.constant 0 : i32
    %c0_i32_1 = arith.constant 0 : i32
    return %c0_i32, %c0_i32_0 : i32, i32
  }
  func.func @transform_5(%arg0: i32) -> (i32, i32, i32) {
    %c0_i32 = arith.constant 0 : i32
    %c0_i32_0 = arith.constant 0 : i32
    %c0_i32_1 = arith.constant 0 : i32
    return %arg0, %c0_i32, %c0_i32_0 : i32, i32, i32
  }
}

module attributes {stable_mosaic.version = 14 : i64} {
  func.func @_cls_body(%arg0: i32, %arg1: memref<64x4096xf32, #tpu.memory_space<vmem>>, %arg2: memref<4096x256xf32, #tpu.memory_space<vmem>>, %arg3: memref<1x256xf32, #tpu.memory_space<vmem>>, %arg4: memref<256x128xf32, #tpu.memory_space<vmem>>, %arg5: memref<1x128xf32, #tpu.memory_space<vmem>>, %arg6: memref<128x2xf32, #tpu.memory_space<vmem>>, %arg7: memref<1x2xf32, #tpu.memory_space<vmem>>, %arg8: memref<64x2xf32, #tpu.memory_space<vmem>>, %arg9: memref<64x256xf32, #tpu.memory_space<vmem>>) attributes {dimension_semantics = [#tpu.dimension_semantics<arbitrary>], iteration_bounds = array<i64: 8>, scalar_prefetch = 0 : i64, scratch_operands = 1 : i64, tpu.core_type = #tpu.core_type<tc>, window_params = [{transform_indices = @transform_0, window_bounds = array<i64: 64, 4096>}, {transform_indices = @transform_1, window_bounds = array<i64: 4096, 256>}, {pipeline_mode = #tpu.pipeline_mode<synchronous>, transform_indices = @transform_2, window_bounds = array<i64: 1, 256>}, {pipeline_mode = #tpu.pipeline_mode<synchronous>, transform_indices = @transform_3, window_bounds = array<i64: 256, 128>}, {pipeline_mode = #tpu.pipeline_mode<synchronous>, transform_indices = @transform_4, window_bounds = array<i64: 1, 128>}, {pipeline_mode = #tpu.pipeline_mode<synchronous>, transform_indices = @transform_5, window_bounds = array<i64: 128, 2>}, {pipeline_mode = #tpu.pipeline_mode<synchronous>, transform_indices = @transform_6, window_bounds = array<i64: 1, 2>}, {pipeline_mode = #tpu.pipeline_mode<synchronous>, transform_indices = @transform_7, window_bounds = array<i64: 64, 2>}]} {
    %eq3A = arith.constant 0 : i32
    %eq3A_0 = arith.cmpi eq, %arg0, %eq3A : i32
    %convert_element_type3A = arith.extui %eq3A_0 : i1 to i32
    %cond3A = arith.constant 0 : i32
    %cond3A_1 = arith.cmpi ne, %convert_element_type3A, %cond3A : i32
    scf.if %cond3A_1 {
      %broadcast_in_dim3A = arith.constant 0.000000e+00 : f32
      %broadcast_in_dim3A_18 = vector.broadcast %broadcast_in_dim3A : f32 to vector<64x256xf32>
      %swap3A_19 = arith.constant 0 : index
      %swap3A_20 = arith.constant 0 : index
      %swap3A_21 = vector.load %arg9[%swap3A_19, %swap3A_20] : memref<64x256xf32, #tpu.memory_space<vmem>>, vector<64x256xf32>
      tpu.vector_store %arg9[%swap3A_19, %swap3A_20], %broadcast_in_dim3A_18 {strides = array<i32>} : memref<64x256xf32, #tpu.memory_space<vmem>>, vector<64x256xf32>,
    } else {
    }
    %get3A = arith.constant 0 : index
    %get3A_2 = arith.constant 0 : index
    %get3A_3 = vector.load %arg9[%get3A, %get3A_2] : memref<64x256xf32, #tpu.memory_space<vmem>>, vector<64x256xf32>
    %get3A_4 = arith.constant 0 : index
    %get3A_5 = arith.constant 0 : index
    %get3A_6 = vector.load %arg1[%get3A_4, %get3A_5] : memref<64x4096xf32, #tpu.memory_space<vmem>>, vector<64x4096xf32>
    %get3A_7 = arith.constant 0 : index
    %get3A_8 = arith.constant 0 : index
    %get3A_9 = vector.load %arg2[%get3A_7, %get3A_8] : memref<4096x256xf32, #tpu.memory_space<vmem>>, vector<4096x256xf32>
    %dot_general3A = arith.constant dense<0.000000e+00> : vector<64x256xf32>
    %dot_general3A_10 = tpu.matmul %get3A_6, %get3A_9, %dot_general3A {dimension_numbers = #tpu.dot_dimension_numbers<[1], [0], [0], [1], [0, 0, 1, 1], [], []>, transpose_lhs_hint = false} : vector<64x4096xf32>, vector<4096x256xf32>, vector<64x256xf32> -> vector<64x256xf32>
    %add3A = arith.addf %get3A_3, %dot_general3A_10 : vector<64x256xf32>
    %swap3A = arith.constant 0 : index
    %swap3A_11 = arith.constant 0 : index
    %swap3A_12 = vector.load %arg9[%swap3A, %swap3A_11] : memref<64x256xf32, #tpu.memory_space<vmem>>, vector<64x256xf32>
    tpu.vector_store %arg9[%swap3A, %swap3A_11], %add3A {strides = array<i32>} : memref<64x256xf32, #tpu.memory_space<vmem>>, vector<64x256xf32>,
    %eq3A_13 = arith.constant 7 : i32
    %eq3A_14 = arith.cmpi eq, %arg0, %eq3A_13 : i32
    %convert_element_type3A_15 = arith.extui %eq3A_14 : i1 to i32
    %cond3A_16 = arith.constant 0 : i32
    %cond3A_17 = arith.cmpi ne, %convert_element_type3A_15, %cond3A_16 : i32
    scf.if %cond3A_17 {
      %get3A_18 = arith.constant 0 : index
      %get3A_19 = arith.constant 0 : index
      %get3A_20 = vector.load %arg9[%get3A_18, %get3A_19] : memref<64x256xf32, #tpu.memory_space<vmem>>, vector<64x256xf32>
      %get3A_21 = arith.constant 0 : index
      %get3A_22 = arith.constant 0 : index
      %get3A_23 = vector.load %arg3[%get3A_21, %get3A_22] : memref<1x256xf32, #tpu.memory_space<vmem>>, vector<1x256xf32>
      %add3A_24 = vector.broadcast %get3A_23 : vector<1x256xf32> to vector<64x256xf32>
      %add3A_25 = arith.addf %get3A_20, %add3A_24 : vector<64x256xf32>
      %get3A_26 = arith.constant 0 : index
      %get3A_27 = arith.constant 0 : index
      %get3A_28 = vector.load %arg4[%get3A_26, %get3A_27] : memref<256x128xf32, #tpu.memory_space<vmem>>, vector<256x128xf32>
      %dot_general3A_29 = arith.constant dense<0.000000e+00> : vector<64x128xf32>
      %dot_general3A_30 = tpu.matmul %add3A_25, %get3A_28, %dot_general3A_29 {dimension_numbers = #tpu.dot_dimension_numbers<[1], [0], [0], [1], [0, 0, 1, 1], [], []>, transpose_lhs_hint = false} : vector<64x256xf32>, vector<256x128xf32>, vector<64x128xf32> -> vector<64x128xf32>
      %get3A_31 = arith.constant 0 : index
      %get3A_32 = arith.constant 0 : index
      %get3A_33 = vector.load %arg5[%get3A_31, %get3A_32] : memref<1x128xf32, #tpu.memory_space<vmem>>, vector<1x128xf32>
      %add3A_34 = vector.broadcast %get3A_33 : vector<1x128xf32> to vector<64x128xf32>
      %add3A_35 = arith.addf %dot_general3A_30, %add3A_34 : vector<64x128xf32>
      %get3A_36 = arith.constant 0 : index
      %get3A_37 = arith.constant 0 : index
      %get3A_38 = vector.load %arg6[%get3A_36, %get3A_37] : memref<128x2xf32, #tpu.memory_space<vmem>>, vector<128x2xf32>
      %dot_general3A_39 = arith.constant dense<0.000000e+00> : vector<64x2xf32>
      %dot_general3A_40 = tpu.matmul %add3A_35, %get3A_38, %dot_general3A_39 {dimension_numbers = #tpu.dot_dimension_numbers<[1], [0], [0], [1], [0, 0, 1, 1], [], []>, transpose_lhs_hint = false} : vector<64x128xf32>, vector<128x2xf32>, vector<64x2xf32> -> vector<64x2xf32>
      %get3A_41 = arith.constant 0 : index
      %get3A_42 = arith.constant 0 : index
      %get3A_43 = vector.load %arg7[%get3A_41, %get3A_42] : memref<1x2xf32, #tpu.memory_space<vmem>>, vector<1x2xf32>
      %add3A_44 = vector.broadcast %get3A_43 : vector<1x2xf32> to vector<64x2xf32>
      %add3A_45 = arith.addf %dot_general3A_40, %add3A_44 : vector<64x2xf32>
      %swap3A_46 = arith.constant 0 : index
      %swap3A_47 = arith.constant 0 : index
      %swap3A_48 = vector.load %arg8[%swap3A_46, %swap3A_47] : memref<64x2xf32, #tpu.memory_space<vmem>>, vector<64x2xf32>
      tpu.vector_store %arg8[%swap3A_46, %swap3A_47], %add3A_45 {strides = array<i32>} : memref<64x2xf32, #tpu.memory_space<vmem>>, vector<64x2xf32>,
    } else {
    }
    return
  }
  func.func @transform_0(%arg0: i32) -> (i32, i32) {
    %c0_i32 = arith.constant 0 : i32
    %c0_i32_0 = arith.constant 0 : i32
    return %c0_i32, %arg0 : i32, i32
  }
  func.func @transform_1(%arg0: i32) -> (i32, i32) {
    %c0_i32 = arith.constant 0 : i32
    %c0_i32_0 = arith.constant 0 : i32
    return %arg0, %c0_i32 : i32, i32
  }
  func.func @transform_2(%arg0: i32) -> (i32, i32) {
    %c0_i32 = arith.constant 0 : i32
    %c0_i32_0 = arith.constant 0 : i32
    %c0_i32_1 = arith.constant 0 : i32
    return %c0_i32, %c0_i32_0 : i32, i32
  }
  func.func @transform_3(%arg0: i32) -> (i32, i32) {
    %c0_i32 = arith.constant 0 : i32
    %c0_i32_0 = arith.constant 0 : i32
    %c0_i32_1 = arith.constant 0 : i32
    return %c0_i32, %c0_i32_0 : i32, i32
  }
  func.func @transform_4(%arg0: i32) -> (i32, i32) {
    %c0_i32 = arith.constant 0 : i32
    %c0_i32_0 = arith.constant 0 : i32
    %c0_i32_1 = arith.constant 0 : i32
    return %c0_i32, %c0_i32_0 : i32, i32
  }
  func.func @transform_5(%arg0: i32) -> (i32, i32) {
    %c0_i32 = arith.constant 0 : i32
    %c0_i32_0 = arith.constant 0 : i32
    %c0_i32_1 = arith.constant 0 : i32
    return %c0_i32, %c0_i32_0 : i32, i32
  }
  func.func @transform_6(%arg0: i32) -> (i32, i32) {
    %c0_i32 = arith.constant 0 : i32
    %c0_i32_0 = arith.constant 0 : i32
    %c0_i32_1 = arith.constant 0 : i32
    return %c0_i32, %c0_i32_0 : i32, i32
  }
  func.func @transform_7(%arg0: i32) -> (i32, i32) {
    %c0_i32 = arith.constant 0 : i32
    %c0_i32_0 = arith.constant 0 : i32
    %c0_i32_1 = arith.constant 0 : i32
    return %c0_i32, %c0_i32_0 : i32, i32
  }
}

</mosaic_0001>

<sc_bundles>
// kernel: kernel.5.cloned.1.call-start
scs
__scs_entry_jumppad:
0x0: {  	(pc) =	sbr.rel $0x88, $3  }
0x1: {  	(tag) =	ssettag $0x0;
	lr =	simm.s32 $0x1  }
0x2: {  	[smem:$0x3F86] =	sst lr;
	_ =	strace $0xD0000000  }
0x3: {  	_ = 	snop  }
0x4: {  	_ = 	snop  }
0x5: {  	_ = 	snop  }
0x6: {  	_ = 	snop  }
0x7: {  	_ = 	snop  }
__scs_overlays_trampoline_lowered:
0x8: {  	[smem:$0x3F95] =	sst s0  }
0x9: {  	[smem:$0x3F96] =	sst s1  }
0xa: {  	[smem:$0x3F97] =	sst s2  }
0xb: {  	[smem:$0x3F98] =	sst s3  }
0xc: {  	[smem:$0x3F99] =	sst s4  }
0xd: {  	[smem:$0x3F9A] =	sst s5  }
0xe: {  	[smem:$0x3F9B] =	sst s6  }
0xf: {  	[smem:$0x3F9C] =	sst s7  }
0x10: {  	[smem:$0x3F9D] =	sst s8  }
0x11: {  	[smem:$0x3F9E] =	sst s9;
	s0 =	simm.s32 @!p0 $0x0  }
0x12: {  	s1 =	sld [smem:$0x3F84];
	s0 =	simm.s32 @p0 $0x1  }
0x13: {  	[smem:$0x3F9F] =	sst s0;
	s0 =	simm.s32 @!p1 $0x0  }
0x14: {  	s2 =	sld [smem:$0x3F83];
	s0 =	simm.s32 @p1 $0x1  }
0x15: {  	[smem:$0x3FA0] =	sst s0;
	s0 =	simm.s32 @!p2 $0x0  }
0x16: {  	s3 =	sld [smem:$0x3FDB];
	s0 =	simm.s32 @p2 $0x1  }
0x17: {  	s4 =	simm.s32 $0x1BF5;
	[smem:$0x3FA2] =	sst s0  }
0x18: {  	s0 =	sld [smem:$0x3F85];
	_ =	swait.ge [sflag:s4], $0x0  }
0x19: {  	s7 =	sld [smem:$0x3F86]  }
0x1a: {  	s8 =	sadd.s32 $0xFFFFE003, lr  }
0x1b: {  	s9 =	sadd.s32 $0xFFFFFEF7, lr;
	s5 =	simm.s32 $0xFFFFFFFF;
	p2 =	slt.u32 s8, $0xFFFFF086  }
0x1c: {  	p1 =	slt.u32 s9, $0xF7A;
	s5 =	simm.s32 @!p2 $0x0  }
0x1d: {  	s5 =	simm.s32 @p1 $0x1;
	p0 =	seq.s32 s7, s2  }
0x1e: {  	s7 =	smul.u32 @!p0 $0xF7A, s2;
	p2 =	seq.s32 @!p0 s5, $0x0  }
0x1f: {  	s9 =	smul.u32 $0xF7A, s1;
	s8 =	simm.s32 @!p0 $0x1BF5;
	p2 =	por !p2, p0  }
0x20: {  	[sflag:s8] =	ssyncset.s32 @!p0 $0xFFFFF086;
	s6 =	sadd.s32 @!p0 s3, s7;
	s7 =	simm.s32 @!p0 $0x108  }
0x21: {  	s3 =	sadd.s32 s3, s9;
	s6 =	sadd.s32 @!p0 $0x88, s6;
	s7 =	simm.s32 @p2 $0x1082  }
0x22: {  	[simem:s7], [sflag:s8] =	dma.local @!p0 [hbm:s6], $0xF7A  }
0x23: {  	s9 =	sor.u32 $0xD0000000, s2;
	s6 =	simm.s32 $0x108;
	_ =	swait.ge @!p0 [sflag:s8], $0x0  }
0x24: {  	s3 =	sadd.s32 $0x88, s3;
	s6 =	simm.s32 @!p1 $0x1082;
	[sflag:s4] =	ssyncset.s32 $0xFFFFF086  }
0x25: {  	[simem:s6], [sflag:s4] =	dma.local [hbm:s3], $0xF7A  }
0x26: {  	[smem:$0x3F86] =	sst s1;
	(tag) =	ssettag s2;
	_ =	strace s9  }
0x27: {  	s1 =	sld [smem:$0x3F96]  }
0x28: {  	s2 =	sld [smem:$0x3F97]  }
0x29: {  	s4 =	sld [smem:$0x3F99]  }
0x2a: {  	p0 =	seq.s32 s5, $0x0;
	s5 =	sld [smem:$0x3F9A]  }
0x2b: {  	s6 =	sld [smem:$0x3F9B]  }
0x2c: {  	s7 =	sld [smem:$0x3F9C]  }
0x2d: {  	s3 =	simm.s32 $0x108;
	s8 =	sld [smem:$0x3F9D]  }
0x2e: {  	s3 =	simm.s32 @!p0 $0x1082;
	s9 =	sld [smem:$0x3F9E]  }
0x2f: {  	lr =	sadd.s32 s0, s3;
	s0 =	sld [smem:$0x3F95]  }
0x30: {  	s3 =	sld [smem:$0x3F98]  }
0x31: {  	[smem:$0x3FA1] =	sst s10  }
0x32: {  	s10 =	sld [smem:$0x3F9F];
	_ =	sdelay $0x3  }
0x33: {  	p0 =	seq.s32 s10, $0x1;
	s10 =	sld [smem:$0x3FA1];
	_ =	sdelay $0x3  }
0x34: {  	[smem:$0x3FA1] =	sst s10  }
0x35: {  	s10 =	sld [smem:$0x3FA0];
	_ =	sdelay $0x3  }
0x36: {  	p1 =	seq.s32 s10, $0x1;
	s10 =	sld [smem:$0x3FA1];
	_ =	sdelay $0x3  }
0x37: {  	[smem:$0x3FA1] =	sst s10  }
0x38: {  	s10 =	sld [smem:$0x3FA2]  }
0x39: {  	_ = 	snop;
	(pc) =	sbr.ind lr, $3  }
0x3a: {  	_ = 	snop  }
0x3b: {  	_ = 	snop  }
0x3c: {  	p2 =	seq.s32 s10, $0x1;
	s10 =	sld [smem:$0x3FA1]  }
0x3d: {  	_ =	shalt  }
0x3e: {  	_ =	shalt  }
0x3f: {  	_ =	shalt  }
0x40: {  	_ =	shalt  }
0x41: {  	_ =	shalt  }
0x42: {  	_ =	shalt  }
0x43: {  	_ =	shalt  }
0x44: {  	_ =	shalt  }
0x45: {  	_ =	shalt  }
0x46: {  	_ =	shalt  }
0x47: {  	_ =	shalt  }
0x48: {  	_ =	shalt  }
0x49: {  	_ =	shalt  }
0x4a: {  	_ =	shalt  }
0x4b: {  	_ =	shalt  }
0x4c: {  	_ =	shalt  }
0x4d: {  	_ =	shalt  }
0x4e: {  	_ =	shalt  }
0x4f: {  	_ =	shalt  }
0x50: {  	_ =	shalt  }
0x51: {  	_ =	shalt  }
0x52: {  	_ =	shalt  }
0x53: {  	_ =	shalt  }
0x54: {  	_ =	shalt  }
0x55: {  	_ =	shalt  }
0x56: {  	_ =	shalt  }
0x57: {  	_ =	shalt  }
0x58: {  	_ =	shalt  }
0x59: {  	_ =	shalt  }
0x5a: {  	_ =	shalt  }
0x5b: {  	_ =	shalt  }
0x5c: {  	_ =	shalt  }
0x5d: {  	_ =	shalt  }
0x5e: {  	_ =	shalt  }
0x5f: {  	_ =	shalt  }
0x60: {  	_ =	shalt  }
0x61: {  	_ =	shalt  }
0x62: {  	_ =	shalt  }
0x63: {  	_ =	shalt  }
0x64: {  	_ =	shalt  }
0x65: {  	_ =	shalt  }
0x66: {  	_ =	shalt  }
0x67: {  	_ =	shalt  }
0x68: {  	_ =	shalt  }
0x69: {  	_ =	shalt  }
0x6a: {  	_ =	shalt  }
0x6b: {  	_ =	shalt  }
0x6c: {  	_ =	shalt  }
0x6d: {  	_ =	shalt  }
0x6e: {  	_ =	shalt  }
0x6f: {  	_ =	shalt  }
0x70: {  	_ =	shalt  }
0x71: {  	_ =	shalt  }
0x72: {  	_ =	shalt  }
0x73: {  	_ =	shalt  }
0x74: {  	_ =	shalt  }
0x75: {  	_ =	shalt  }
0x76: {  	_ =	shalt  }
0x77: {  	_ =	shalt  }
0x78: {  	_ =	shalt  }
0x79: {  	_ =	shalt  }
0x7a: {  	_ =	shalt  }
0x7b: {  	_ =	shalt  }
0x7c: {  	_ =	shalt  }
0x7d: {  	_ =	shalt  }
0x7e: {  	_ =	shalt  }
0x7f: {  	_ =	shalt  }
0x80: {  	_ =	shalt  }
0x81: {  	_ =	shalt  }
0x82: {  	_ =	shalt  }
0x83: {  	_ =	shalt  }
0x84: {  	_ =	shalt  }
0x85: {  	_ =	shalt  }
0x86: {  	_ =	shalt  }
0x87: {  	_ =	shalt  }
.Lfunc_end0:
.L_simem_size_0:
called_computation_lowered:
.L_overlay_start_0:
0x88: {  	s2 =	sld [smem:$0x3FD9]  }
0x89: {  	s3 =	sld [smem:$0x3FFE];
	_ =	sdelay $0x1  }
0x8a: {  	s1 =	srdreg.scid  }
0x8b: {  	s0 =	sand.u32 $0x1, s1  }
0x8c: {  	s17 =	sshll.u32 s0, $0xA;
	s2 =	sadd.s32 s3, s2  }
0x8d: {  	s2 =	sadd.s32 s2, s17  }
0x8e: {  	[smem:$0x3FAD] =	sst s2  }
0x8f: {  	_ = 	snop  }
0x90: {  	s2 =	sld [smem:$0x3FC8]  }
0x91: {  	s18 =	sld [smem:$0x3FC7];
	(tm) =	ssettm $0x1  }
0x92: {  	s4 =	sld [smem:$0x3FFB];
	_ =	sdelay $0x3  }
0x93: {  	_ =	strace s4  }
0x94: {  	s4 =	sld [smem:$0x3FFC];
	_ =	sdelay $0x3  }
0x95: {  	_ =	strace s4  }
0x96: {  	s4 =	sld [smem:$0x3FFD];
	_ =	sdelay $0x3  }
0x97: {  	_ =	strace s4  }
0x98: {  	_ =	strace $0x8FFFFFFF  }
0x99: {  	s19 =	sld [smem:$0x3FDB];
	_ =	sdelay $0x1  }
0x9a: {  	s5 =	simm.s32 $_scs_section_size  }
0x9b: {  	s6 =	simm.s32 $_size__tile_overlayer_lowered;
	s7 =	simm.s32 $_tile_overlayer_lowered  }
0x9c: {  	s22 =	simm.s32 $0x1BFF;
	s21 =	sshll.u32 s7, $0x1;
	s4 =	sadd.s32 s5, s19  }
0x9d: {  	s8 =	simm.s32 $0x0;
	s20 =	sshll.u32 s6, $0x1;
	s6 =	sadd.s32 s21, s4  }
0x9e: {  	[timem:s8], [sflag:s22] =	dma.local [hbm:s6], s20  }
0x9f: {  	_ =	swait.ge [sflag:s22], s20  }
0xa0: {  	s5 =	ssub.s32 $0x0, s20;
	[sflag:s22] =	ssyncset.done $0x0  }
0xa1: {  	[sflag:s22] =	ssyncadd.s32 s5;
	_ =	sdelay $0x1  }
0xa2: {  	s23 =	simm.s32 $0x1B8B  }
0xa3: {  	_ =	swait.ge [sflag:s23], $0x1  }
0xa4: {  	[sflag:s23] =	ssyncset.done $0x0  }
0xa5: {  	s25 =	simm.s32 $0x1B8E;
	s24 =	sld [smem:$0x3FFE];
	[sflag:s23] =	ssyncadd.s32 $0xFFFFFFFF  }
0xa6: {  	s26 =	simm.s32 $execute0_lowered;
	[smem:$0x3FD2] =	sst s25  }
0xa7: {  	s6 =	sshll.u32 s26, $0x1;
	_ =	strace $0x80000046;
	[dreg:$0x1] =	wrdreg $0xFFFFFFFF  }
0xa8: {  	s28 =	simm.s32 $_size_execute0_lowered;
	s4 =	sadd.s32 s4, s6;
	[dreg:$0x0] =	wrdreg $0x0  }
0xa9: {  	s6 =	sshll.u32 s28, $0x1;
	[dreg:$0x2] =	wrdreg s4  }
0xaa: {  	[dreg:$0x3] =	wrdreg s6  }
0xab: {  	[dreg:$0x4] =	wrdreg $0xC0  }
0xac: {  	_ =	task [dreg:s8], $0x5FFFF  }
0xad: {  	[dreg:$0x1] =	wrdreg $0xFFFFFFFF  }
0xae: {  	[dreg:$0x0] =	wrdreg $0x60  }
0xaf: {  	[dreg:$0x2] =	wrdreg s2  }
0xb0: {  	[dreg:$0x3] =	wrdreg s18  }
0xb1: {  	[dreg:$0x4] =	wrdreg s24  }
0xb2: {  	[dreg:$0x5] =	wrdreg $0x9  }
0xb3: {  	_ =	task.clear_ibuf [dreg:s8], $0x6FFFF;
	_ =	strace $0x90000046  }
0xb4: {  	s29 =	simm.s32 $0x9;
	_ =	strace $0x80000048  }
0xb5: {  	_ =	swait.ge [sflag:s29], $0x1  }
0xb6: {  	[sflag:s29] =	ssyncadd.s32 $0xFFFFFFFF  }
0xb7: {  	_ =	strace $0x90000048  }
0xb8: {  	_ =	sfence  }
0xb9: {  	s30 =	sld [smem:$0x0];
	_ =	sdelay $0x2  }
0xba: {  	s31 =	sshll.u32 s1, $0xD;
	s1 =	sshrl.u32 s1, $0x2  }
0xbb: {  	s3 =	sand.u32 $0x4000, s31;
	s1 =	sadd.s32 s1, s30  }
0xbc: {  	s0 =	sor.u32 s3, s0;
	s1 =	sshll.u32 s1, $0x11  }
0xbd: {  	s0 =	sor.u32 s1, s0  }
0xbe: {  	s0 =	sadd.s32 $0x8F2B, s0  }
0xbf: {  	[sflag:s0] =	ssyncadd.remote.s32 $0x1  }
0xc0: {  	_ =	sfence.sel $0xFFFF  }
0xc1: {  	[dreg:$0x0] =	wrdreg $0xFFFFFFFF;
	(pc) =	sbr.abs _section_cstart, $3  }
0xc2: {  	[dreg:$0x1] =	wrdreg $0xFFFFFFFF  }
0xc3: {  	_ =	task.clear_ibuf [dreg:s8], $0x2FFFF;
	_ =	strace $0x9FFFFFFF  }
0xc4: {  	(tm) =	ssettm $0x7FFFFFFF  }
0xc5: {  	_ =	shalt  }
tec
execute0_lowered:
.L_overlay_start_1:
0x0: {  	(tag) =	ssettag $0x1  }
0x1: {  	s1 =	rddreg [dreg:$0x0]  }
0x2: {  	s3 =	rddreg [dreg:$0x1]  }
0x3: {  	s5 =	rddreg [dreg:$0x2]  }
0x4: {  	s0 =	rddreg [dreg:$0x3];
	s6 =	srdreg.scid  }
0x5: {  	s2 =	stileid.u32;
	s4 =	simm.s32 $0x0;
	s9 =	simm.s32 $0x100  }
0x6: {  	s10 =	simm.s32 $0x1;
	s11 =	simm.s32 $0x4000;
	s14 =	simm.s32 $0x0  }
0x7: {  	s6 =	sand.u32 $0x1, s6;
	s7 =	sshll.u32 s2, $0x1;
	[smem:$0x7FF] =	sst s4  }
0x8: {  	s7 =	sor.u32 s6, s7;
	_ =	strace $0x80000047;
	s6 =	ssub.s32 $0x2, s6  }
0x9: {  	s8 =	sshll.u32 s7, $0xA;
	s30 =	sshrl.u32 s6, $0x1;
	s12 =	sshll.u32 s7, $0x4  }
0xa: {  	s8 =	sadd.s32 s8, s5;
	s31 =	ssub.s32 s6, s30;
	s5 =	sadd.s32 $0x10, s1  }
0xb: {  	s13 =	sadd.s32 $0x10, s12;
	v0 =	vmov s12;
	s12 =	simm.s32 $0x8000;
	s6 =	sadd.s32 $0x3400, s8  }
0xc: {  	v2 =	vimm.f32 $0.0e+00;
	s7 =	smax.u32 s31, $0x1;
	s8 =	simm.s32 $0x80;
	v1 =	vmov s13;
	s13 =	simm.s32 $0xC000  }
.LBB2_1:
0xd: {  	[tilespmem:s4], [sflag:$0x1] =	stream.strided.gather [hbm4b:s1+s8], $0x4000, s9, s8, $0x38;
	[tilespmem:$0xE000] =	vst v63  }
0xe: {  	_ =	swait.ge [sflag:s10], $0x4000  }
0xf: {  	[sflag:s10] =	ssyncset.done $0x0  }
0x10: {  	[sflag:s10] =	ssyncadd.s32 $0xFFFFC000  }
0x11: {  	[tilespmem:s11], [sflag:$0x1] =	stream.strided.gather [hbm4b:s5+s8], $0x4000, s9, s8, $0x38;
	[tilespmem:$0xE000] =	vst v63  }
0x12: {  	_ =	swait.ge [sflag:s10], $0x4000  }
0x13: {  	[sflag:s10] =	ssyncset.done $0x0  }
0x14: {  	[sflag:s10] =	ssyncadd.s32 $0xFFFFC000  }
0x15: {  	[tilespmem:s12], [sflag:$0x1] =	stream.linear.gather [hbm4b:s3+s4], $0x4000, $0x38;
	[tilespmem:$0xE000] =	vst v63  }
0x16: {  	_ =	swait.ge [sflag:s10], $0x4000  }
0x17: {  	[sflag:s10] =	ssyncset.done $0x0  }
0x18: {  	s15 =	simm.s32 $0x0;
	[sflag:s10] =	ssyncadd.s32 $0xFFFFC000  }
.LBB2_2:
0x19: {  	p0 =	sne.s32 s15, $0x7FC0  }
.Ltmp0:
0x1a: {  	_ = 	snop;
	(pc) =	sbr.rel @p0 .LBB2_2-.Ltmp0, $3  }
0x1b: {  	_ =	sdelay $0x1  }
0x1c: {  	s16 =	sshra.s32 s15, $0x2  }
0x1d: {  	s15 =	sadd.s32 $0x40, s15;
	[tilespmem:s16+$0xC000] =	vst v2  }
0x1e: {  	s16 =	simm.s32 $0x0;
	s15 =	simm.s32 $0x40  }
.LBB2_4:
0x1f: {  	p0 =	sne.s32 s15, $0xFFC0;
	v3 =	vld [tilespmem:s16+$0x0];
	_ =	sdelay $0x1  }
0x20: {  	v4 =	vld [tilespmem:s16+$0x4000];
	_ =	sdelay $0x2  }
0x21: {  	v5 =	vsub.s32 v3, v0  }
0x22: {  	vm0 =	vge.s32 v3, v0;
	vm1 =	vlt.s32 v3, v1;
	v5 =	vshll.u32 v5, $0x9  }
0x23: {  	vm0 =	vmand vm0, vm1;
	v6 =	vld [tilespmem:s16+$0x8000];
	v5 =	vadd.s32 v4, v5  }
0x24: {  	v5 =	vnsel vm0, $0x0, v5  }
.Ltmp1:
0x25: {  	(pc) =	sbr.rel @p0 .LBB2_4-.Ltmp1, $4  }
0x26: {  	_ = 	snop  }
0x27: {  	vm1 =	veq.s32 v3, v4  }
0x28: {  	v3 =	vsel vm1, $0x0, v6  }
0x29: {  	s16 =	sshra.s32 s15, $0x2;
	s15 =	sadd.s32 $0x40, s15;
	[tilespmem:v5+s13+$0x0] =	vst.idx.add.f32.msk vm0, v3  }
0x2a: {  	v3 =	vld [tilespmem:s16+$0x0];
	_ =	sdelay $0x1  }
0x2b: {  	v4 =	vld [tilespmem:s16+$0x4000];
	_ =	sdelay $0x2  }
0x2c: {  	v5 =	vsub.s32 v3, v0  }
0x2d: {  	vm0 =	vge.s32 v3, v0;
	vm1 =	vlt.s32 v3, v1;
	v5 =	vshll.u32 v5, $0x9  }
0x2e: {  	v6 =	vld [tilespmem:s16+$0x8000];
	vm0 =	vmand vm0, vm1;
	v5 =	vadd.s32 v4, v5  }
0x2f: {  	v5 =	vnsel vm0, $0x0, v5;
	_ =	sdelay $0x2  }
0x30: {  	s14 =	sadd.s32 $0x1, s14;
	vm15 =	veq.s32 v3, v4  }
0x31: {  	p0 =	sne.s32 s14, s7;
	v3 =	vsel vm15, $0x0, v6  }
.Ltmp2:
0x32: {  	[tilespmem:v5+s13+$0x0] =	vst.idx.add.f32.msk vm0, v3;
	(pc) =	sbr.rel @p0 .LBB2_1-.Ltmp2, $4  }
0x33: {  	[hbm4b:s6+s4] =	stream.linear.scatter [tilespmem:s13], [sflag:$0x1], $0x2000, $0x38;
	[tilespmem:$0xE000] =	vst v63  }
0x34: {  	_ =	swait.ge [sflag:s10], $0x2000  }
0x35: {  	[sflag:s10] =	ssyncset.done $0x0  }
0x36: {  	[sflag:s10] =	ssyncadd.s32 $0xFFFFE000  }
0x37: {  	_ =	sfence.sel $0x180000  }
0x38: {  	[bflag:$0x0] =	sbarrier.arrive $0xFFFF  }
0x39: {  	p0 =	sne.s32 s2, $0x0;
	_ =	strace $0x90000047  }
0x3a: {  	s0 =	sadd.s32 @!p0 $0x100000, s0;
	[bflag:$0x2] =	sbarrier.arrive $0xFFFF  }
0x3b: {  	[sflag:s0] =	ssyncadd.tile.s32 @!p0 $0x1;
	_ =	shalt  }
.Lfunc_end2:
_tile_overlayer_lowered:
.L_overlay_start_2:
0x3c: {  	(tag) =	ssettag $0x2  }
0x3d: {  	s0 =	rddreg [dreg:$0x0];
	s2 =	stileid.u32  }
0x3e: {  	s1 =	rddreg [dreg:$0x1];
	p0 =	sne.s32 s2, $0x0  }
0x3f: {  	s3 =	rddreg [dreg:$0x2];
	[bflag:$0x3] =	sbarrier.arrive $0xFFFF;
	s2 =	simm.s32 @!p0 $0x1C01  }
0x40: {  	[timem:s3], [sflag:s2] =	dma.local @!p0 [hbm:s0], s1  }
0x41: {  	s0 =	simm.s32 @!p0 $0x1  }
0x42: {  	_ =	swait.ge @!p0 [sflag:s0], s1  }
0x43: {  	s1 =	ssub.s32 @!p0 $0x0, s1;
	[sflag:s0] =	ssyncset.done @!p0 $0x0  }
0x44: {  	[sflag:s0] =	ssyncadd.s32 @!p0 s1  }
0x45: {  	[bflag:$0x3] =	sbarrier.arrive $0xFFFF  }
0x46: {  	_ =	shalt  }

</sc_bundles>
